<compile_context>
chip_gen: v7x
topology: tpu7x:2x2x1
jax: 0.10.2.dev20260603
libtpu: 0.0.44.dev20260713+nightly
codegen_flags: <defaults>
</compile_context>

<pallas_src>
import jax
import jax.numpy as jnp
from jax import lax
from jax.experimental import pallas as pl
from jax.experimental.pallas import tpu as pltpu
from jax.experimental.pallas import tpu_sc as plsc

BATCH = 4096
SEQ = 200
EMBED_DIM = 64

_info = plsc.get_sparse_core_info()
NC, NS = _info.num_cores, _info.num_subcores
NW = NC * NS

B = BATCH * SEQ
B_PER_W = B // NW
CHUNK = 256
N_CHUNKS = B_PER_W // CHUNK
NBUF = 4
LEAD = 2

assert B_PER_W % CHUNK == 0
assert (N_CHUNKS - NBUF) % NBUF == 0 and N_CHUNKS > NBUF
assert 0 < LEAD < NBUF


def _gather_body(tokens_hbm, table_hbm, out_hbm, idx_v, rows_v, *sems):
    gsem = list(sems[:NBUF])
    osem = list(sems[NBUF:])
    wid = lax.axis_index("s") * NC + lax.axis_index("c")
    base = wid * N_CHUNKS

    pltpu.sync_copy(tokens_hbm.at[pl.ds(base, N_CHUNKS)], idx_v)

    def start_gather(i, b):
        pltpu.async_copy(table_hbm.at[idx_v.at[i]], rows_v.at[b], gsem[b])

    def wait_gather(b):
        pltpu.make_async_copy(table_hbm.at[idx_v.at[0]], rows_v.at[b], gsem[b]).wait()

    CPS = BATCH // CHUNK

    def start_wb(i, b):
        c = base + i
        pltpu.async_copy(
            rows_v.at[b],
            out_hbm.at[c // CPS, pl.ds((c % CPS) * CHUNK, CHUNK)],
            osem[b],
        )

    def wait_wb(b):
        pltpu.make_async_copy(
            rows_v.at[b], out_hbm.at[0, pl.ds(0, CHUNK)], osem[b]
        ).wait()

    for i in range(LEAD):
        start_gather(i, i % NBUF)

    for i in range(NBUF - LEAD):
        b = i % NBUF
        wait_gather(b)
        start_wb(i, b)
        start_gather(i + LEAD, (i + LEAD) % NBUF)

    def ring_pass(g, carry):
        for k in range(NBUF):
            b = (NBUF - LEAD + k) % NBUF
            i = (NBUF - LEAD) + g * NBUF + k
            wait_gather(b)
            start_wb(i, b)
            b2 = (b + LEAD) % NBUF
            wait_wb(b2)
            start_gather(i + LEAD, b2)
        return carry

    lax.fori_loop(0, (N_CHUNKS - NBUF) // NBUF, ring_pass, 0)

    for i in range(N_CHUNKS - LEAD, N_CHUNKS):
        b = i % NBUF
        wait_gather(b)
        start_wb(i, b)
    for b in range(NBUF):
        wait_wb(b)


def _embedding_gather(tokens_2d, wte_weight):
    mesh = plsc.VectorSubcoreMesh(core_axis_name="c", subcore_axis_name="s")
    return pl.kernel(
        _gather_body,
        out_type=jax.ShapeDtypeStruct((SEQ, BATCH, EMBED_DIM), jnp.float32),
        mesh=mesh,
        scratch_types=[
            pltpu.VMEM((N_CHUNKS, CHUNK), jnp.int32),
            pltpu.VMEM((NBUF, CHUNK, EMBED_DIM), jnp.float32),
        ]
        + [pltpu.SemaphoreType.DMA] * (2 * NBUF),
        compiler_params=pltpu.CompilerParams(use_tc_tiling_on_sc=False),
    )(tokens_2d, wte_weight)


def kernel(tokens, wte_weight, learned_embedding):
    del learned_embedding
    tokens_2d = jnp.transpose(tokens).reshape(B // CHUNK, CHUNK).astype(jnp.int32)
    out = _embedding_gather(tokens_2d, wte_weight)
    return jnp.transpose(out, (1, 0, 2))

# --- scband reference (transcript-rebuilt; emitter-appended) ---
"""Pipeline reference for scband-promptembedding-63651415327425 (READ-ONLY COPY).

The authoritative reference and input builder live on the scoring server;
editing this copy changes nothing except your own understanding.
"""

import jax, jax.numpy as jnp
import numpy as np

VOCAB = 1000000
EMBED_DIM = 64
BATCH = 4096
SEQ = 200
PROMPT_TOKEN_ID = 1500000
N_TOKENS_SUM = 30


def setup_inputs(seed: int = 0) -> dict:
    key = jax.random.key(seed)
    k1, k2, k3 = jax.random.split(key, 3)
    tokens = jax.random.randint(k1, (BATCH, SEQ), 0, VOCAB)
    wte_weight = jax.random.normal(k2, (VOCAB, EMBED_DIM), dtype=jnp.float32) * 0.02
    # initialize_from_vocab=False path: uniform(-random_range, random_range); stored as (sum(n_tokens), d) rows used as learned_embedding[idx2, :]
    learned_embedding = jax.random.uniform(k3, (N_TOKENS_SUM, EMBED_DIM), minval=-0.5, maxval=0.5, dtype=jnp.float32)
    return {"tokens": tokens, "wte_weight": wte_weight, "learned_embedding": learned_embedding}


def reference(tokens, wte_weight, learned_embedding):
    # embeddings = self.wte(tokens)
    embeddings = jnp.take(wte_weight, tokens, axis=0)
    mask = tokens == PROMPT_TOKEN_ID
    n_prompt = jnp.sum(mask)
    # replacement path (not hit for these inputs since prompt_token_id >= vocab, kept faithful)
    rank = jnp.cumsum(mask, axis=1) - 1
    rank = jnp.clip(rank, 0, N_TOKENS_SUM - 1)
    replaced = jnp.where(mask[:, :, None], learned_embedding[rank], embeddings)
    return jnp.where(n_prompt >= N_TOKENS_SUM, replaced, embeddings)

if __name__ == "__main__":
    import jax
    _d = setup_inputs()
    print(jax.jit(kernel)(*tuple(_d.values())))

</pallas_src>

<mosaic_0001>
#map = affine_map<(d0, d1) -> (0, 0)>
#map1 = affine_map<(d0, d1) -> (0, 0, 0)>
module attributes {stable_mosaic.version = 14 : i64} {
  func.func @_gather_body(%arg0: i32, %arg1: i32, %arg2: memref<3200x256xi32, #tpu.memory_space<hbm>>, %arg3: memref<1000000x64xf32, #tpu.memory_space<hbm>>, %arg4: memref<200x4096x64xf32, #tpu.memory_space<hbm>>, %arg5: memref<100x256xi32, #tpu.memory_space<vmem>>, %arg6: memref<4x256x64xf32, #tpu.memory_space<vmem>>, %arg7: memref<!tpu.dma_semaphore, #tpu.memory_space<semaphore_mem>>, %arg8: memref<!tpu.dma_semaphore, #tpu.memory_space<semaphore_mem>>, %arg9: memref<!tpu.dma_semaphore, #tpu.memory_space<semaphore_mem>>, %arg10: memref<!tpu.dma_semaphore, #tpu.memory_space<semaphore_mem>>, %arg11: memref<!tpu.dma_semaphore, #tpu.memory_space<semaphore_mem>>, %arg12: memref<!tpu.dma_semaphore, #tpu.memory_space<semaphore_mem>>, %arg13: memref<!tpu.dma_semaphore, #tpu.memory_space<semaphore_mem>>, %arg14: memref<!tpu.dma_semaphore, #tpu.memory_space<semaphore_mem>>) attributes {dimension_semantics = [#tpu.dimension_semantics<core_parallel>, #tpu.dimension_semantics<subcore_parallel>], iteration_bounds = array<i64: 2, 16>, scalar_prefetch = 0 : i64, scratch_operands = 10 : i64, tpu.core_type = #tpu.core_type<sc_vector_subcore>, window_params = [{transform_indices = #map}, {transform_indices = #map}, {transform_indices = #map1}]} {
    %mul3A = arith.constant 2 : i32
    %mul3A_0 = arith.muli %arg1, %mul3A : i32
    %add3A = arith.addi %mul3A_0, %arg0 : i32
    %mul3A_1 = arith.constant 100 : i32
    %mul3A_2 = arith.muli %add3A, %mul3A_1 : i32
    "tpu.region"() ({
      %run_scoped3A = tpu.sem_alloc : memref<!tpu.dma_semaphore, #tpu.memory_space<semaphore_mem>>
      %dma_start3A_400 = arith.constant 0 : i32
      %dma_start3A_401 = tpu.memref_slice %arg2[%mul3A_2, %dma_start3A_400] : memref<3200x256xi32, #tpu.memory_space<hbm>> -> memref<100x256xi32, #tpu.memory_space<hbm>>
      %dma_start3A_402 = arith.constant 0 : i32
      %dma_start3A_403 = tpu.memref_slice %arg2[%mul3A_2, %dma_start3A_402] : memref<3200x256xi32, #tpu.memory_space<hbm>> -> memref<100x256xi32, #tpu.memory_space<hbm>>
      tpu.enqueue_dma source(%dma_start3A_403 : memref<100x256xi32, #tpu.memory_space<hbm>>) target(%arg5 : memref<100x256xi32, #tpu.memory_space<vmem>>) target_semaphore(%run_scoped3A : memref<!tpu.dma_semaphore, #tpu.memory_space<semaphore_mem>>)
      %dma_wait3A_404 = arith.constant 0 : i32
      %dma_wait3A_405 = tpu.memref_slice %arg2[%mul3A_2, %dma_wait3A_404] : memref<3200x256xi32, #tpu.memory_space<hbm>> -> memref<100x256xi32, #tpu.memory_space<hbm>>
      %dma_wait3A_406 = arith.constant 0 : i32
      %dma_wait3A_407 = tpu.memref_slice %arg2[%mul3A_2, %dma_wait3A_406] : memref<3200x256xi32, #tpu.memory_space<hbm>> -> memref<100x256xi32, #tpu.memory_space<hbm>>
      tpu.wait_dma2 semaphore(%run_scoped3A : memref<!tpu.dma_semaphore, #tpu.memory_space<semaphore_mem>>) src(%dma_wait3A_407 : memref<100x256xi32, #tpu.memory_space<hbm>>) dst(%arg5 : memref<100x256xi32, #tpu.memory_space<vmem>>)
      tpu.yield
    }) : () -> ()
    %dma_start3A = arith.constant 0 : i32
    %dma_start3A_3 = arith.constant 0 : i32
    %dma_start3A_4 = arith.constant 0 : i32
    %dma_start3A_5 = arith.constant 0 : i32
    %dma_start3A_6 = tpu.memref_slice %arg6[%dma_start3A_3, %dma_start3A_4, %dma_start3A_5] : memref<4x256x64xf32, #tpu.memory_space<vmem>> -> memref<1x256x64xf32, #tpu.memory_space<vmem>>
    %dma_start3A_7 = tpu.memref_squeeze %dma_start3A_6 : memref<1x256x64xf32, #tpu.memory_space<vmem>> -> memref<256x64xf32, #tpu.memory_space<vmem>>
    %dma_start3A_8 = arith.constant 0 : i32
    %dma_start3A_9 = tpu.memref_slice %arg5[%dma_start3A, %dma_start3A_8] : memref<100x256xi32, #tpu.memory_space<vmem>> -> memref<1x256xi32, #tpu.memory_space<vmem>>
    %dma_start3A_10 = tpu.memref_squeeze %dma_start3A_9 : memref<1x256xi32, #tpu.memory_space<vmem>> -> memref<256xi32, #tpu.memory_space<vmem>>
    %dma_start3A_11 = arith.constant 0 : i32
    %dma_start3A_12 = arith.constant 0 : i32
    %dma_start3A_13 = tpu.memref_slice %arg3[%dma_start3A_11, %dma_start3A_12] : memref<1000000x64xf32, #tpu.memory_space<hbm>> -> memref<1000000x64xf32, #tpu.memory_space<hbm>>
    tpu.enqueue_indirect_dma source(%dma_start3A_13 : memref<1000000x64xf32, #tpu.memory_space<hbm>>) target(%dma_start3A_7 : memref<256x64xf32, #tpu.memory_space<vmem>>) offsets(%dma_start3A_10 : memref<256xi32, #tpu.memory_space<vmem>>) semaphore(%arg7 : memref<!tpu.dma_semaphore, #tpu.memory_space<semaphore_mem>>)
    %dma_start3A_14 = arith.constant 1 : i32
    %dma_start3A_15 = arith.constant 1 : i32
    %dma_start3A_16 = arith.constant 0 : i32
    %dma_start3A_17 = arith.constant 0 : i32
    %dma_start3A_18 = tpu.memref_slice %arg6[%dma_start3A_15, %dma_start3A_16, %dma_start3A_17] : memref<4x256x64xf32, #tpu.memory_space<vmem>> -> memref<1x256x64xf32, #tpu.memory_space<vmem>>
    %dma_start3A_19 = tpu.memref_squeeze %dma_start3A_18 : memref<1x256x64xf32, #tpu.memory_space<vmem>> -> memref<256x64xf32, #tpu.memory_space<vmem>>
    %dma_start3A_20 = arith.constant 0 : i32
    %dma_start3A_21 = tpu.memref_slice %arg5[%dma_start3A_14, %dma_start3A_20] : memref<100x256xi32, #tpu.memory_space<vmem>> -> memref<1x256xi32, #tpu.memory_space<vmem>>
    %dma_start3A_22 = tpu.memref_squeeze %dma_start3A_21 : memref<1x256xi32, #tpu.memory_space<vmem>> -> memref<256xi32, #tpu.memory_space<vmem>>
    %dma_start3A_23 = arith.constant 0 : i32
    %dma_start3A_24 = arith.constant 0 : i32
    %dma_start3A_25 = tpu.memref_slice %arg3[%dma_start3A_23, %dma_start3A_24] : memref<1000000x64xf32, #tpu.memory_space<hbm>> -> memref<1000000x64xf32, #tpu.memory_space<hbm>>
    tpu.enqueue_indirect_dma source(%dma_start3A_25 : memref<1000000x64xf32, #tpu.memory_space<hbm>>) target(%dma_start3A_19 : memref<256x64xf32, #tpu.memory_space<vmem>>) offsets(%dma_start3A_22 : memref<256xi32, #tpu.memory_space<vmem>>) semaphore(%arg8 : memref<!tpu.dma_semaphore, #tpu.memory_space<semaphore_mem>>)
    %dma_wait3A = arith.constant 0 : i32
    %dma_wait3A_26 = arith.constant 0 : i32
    %dma_wait3A_27 = arith.constant 0 : i32
    %dma_wait3A_28 = arith.constant 0 : i32
    %dma_wait3A_29 = tpu.memref_slice %arg6[%dma_wait3A_26, %dma_wait3A_27, %dma_wait3A_28] : memref<4x256x64xf32, #tpu.memory_space<vmem>> -> memref<1x256x64xf32, #tpu.memory_space<vmem>>
    %dma_wait3A_30 = tpu.memref_squeeze %dma_wait3A_29 : memref<1x256x64xf32, #tpu.memory_space<vmem>> -> memref<256x64xf32, #tpu.memory_space<vmem>>
    %dma_wait3A_31 = arith.constant 0 : i32
    %dma_wait3A_32 = tpu.memref_slice %arg5[%dma_wait3A, %dma_wait3A_31] : memref<100x256xi32, #tpu.memory_space<vmem>> -> memref<1x256xi32, #tpu.memory_space<vmem>>
    %dma_wait3A_33 = tpu.memref_squeeze %dma_wait3A_32 : memref<1x256xi32, #tpu.memory_space<vmem>> -> memref<256xi32, #tpu.memory_space<vmem>>
    %dma_wait3A_34 = arith.constant 0 : i32
    %dma_wait3A_35 = arith.constant 0 : i32
    %dma_wait3A_36 = tpu.memref_slice %arg3[%dma_wait3A_34, %dma_wait3A_35] : memref<1000000x64xf32, #tpu.memory_space<hbm>> -> memref<1000000x64xf32, #tpu.memory_space<hbm>>
    tpu.wait_indirect_dma semaphore(%arg7 : memref<!tpu.dma_semaphore, #tpu.memory_space<semaphore_mem>>) src(%dma_wait3A_36 : memref<1000000x64xf32, #tpu.memory_space<hbm>>) dst(%dma_wait3A_30 : memref<256x64xf32, #tpu.memory_space<vmem>>)
    %add3A_37 = arith.constant 0 : i32
    %add3A_38 = arith.addi %mul3A_2, %add3A_37 : i32
    %jit3A = arith.constant 16 : i32
    %div3A = arith.divsi %add3A_38, %jit3A : i32
    %sign3A = arith.constant 0 : i32
    %sign3A_39 = arith.cmpi sgt, %add3A_38, %sign3A : i32
    %sign3A_40 = arith.extui %sign3A_39 : i1 to i32
    %sign3A_41 = arith.constant 0 : i32
    %sign3A_42 = arith.cmpi slt, %add3A_38, %sign3A_41 : i32
    %sign3A_43 = arith.extui %sign3A_42 : i1 to i32
    %sign3A_44 = arith.subi %sign3A_40, %sign3A_43 : i32
    %sign3A_45 = arith.constant 0 : i32
    %sign3A_46 = arith.cmpi sgt, %jit3A, %sign3A_45 : i32
    %sign3A_47 = arith.extui %sign3A_46 : i1 to i32
    %sign3A_48 = arith.constant 0 : i32
    %sign3A_49 = arith.cmpi slt, %jit3A, %sign3A_48 : i32
    %sign3A_50 = arith.extui %sign3A_49 : i1 to i32
    %sign3A_51 = arith.subi %sign3A_47, %sign3A_50 : i32
    %ne3A = arith.cmpi ne, %sign3A_44, %sign3A_51 : i32
    %rem3A = arith.remsi %add3A_38, %jit3A : i32
    %ne3A_52 = arith.constant 0 : i32
    %ne3A_53 = arith.cmpi ne, %rem3A, %ne3A_52 : i32
    %and3A = arith.andi %ne3A, %ne3A_53 : i1
    %sub3A = arith.constant 1 : i32
    %sub3A_54 = arith.subi %div3A, %sub3A : i32
    %select_n3A = arith.select %and3A, %sub3A_54, %div3A : i32
    %jit3A_55 = arith.constant 16 : i32
    %eq3A = arith.constant 0 : i32
    %eq3A_56 = arith.cmpi eq, %jit3A_55, %eq3A : i32
    %jit3A_57 = arith.constant 1 : i32
    %select_n3A_58 = arith.select %eq3A_56, %jit3A_57, %jit3A_55 : i32
    %rem3A_59 = arith.remsi %add3A_38, %select_n3A_58 : i32
    %ne3A_60 = arith.constant 0 : i32
    %ne3A_61 = arith.cmpi ne, %rem3A_59, %ne3A_60 : i32
    %lt3A = arith.constant 0 : i32
    %lt3A_62 = arith.cmpi slt, %rem3A_59, %lt3A : i32
    %lt3A_63 = arith.constant 0 : i32
    %lt3A_64 = arith.cmpi slt, %select_n3A_58, %lt3A_63 : i32
    %ne3A_65 = arith.xori %lt3A_62, %lt3A_64 : i1
    %and3A_66 = arith.andi %ne3A_65, %ne3A_61 : i1
    %add3A_67 = arith.addi %rem3A_59, %select_n3A_58 : i32
    %select_n3A_68 = arith.select %and3A_66, %add3A_67, %rem3A_59 : i32
    %mul3A_69 = arith.constant 256 : i32
    %mul3A_70 = arith.muli %select_n3A_68, %mul3A_69 : i32
    %dma_start3A_71 = arith.constant 0 : i32
    %dma_start3A_72 = arith.constant 0 : i32
    %dma_start3A_73 = arith.constant 0 : i32
    %dma_start3A_74 = tpu.memref_slice %arg6[%dma_start3A_71, %dma_start3A_72, %dma_start3A_73] : memref<4x256x64xf32, #tpu.memory_space<vmem>> -> memref<1x256x64xf32, #tpu.memory_space<vmem>>
    %dma_start3A_75 = tpu.memref_squeeze %dma_start3A_74 : memref<1x256x64xf32, #tpu.memory_space<vmem>> -> memref<256x64xf32, #tpu.memory_space<vmem>>
    %dma_start3A_76 = arith.constant 0 : i32
    %dma_start3A_77 = tpu.memref_slice %arg4[%select_n3A, %mul3A_70, %dma_start3A_76] : memref<200x4096x64xf32, #tpu.memory_space<hbm>> -> memref<1x256x64xf32, #tpu.memory_space<hbm>>
    %dma_start3A_78 = tpu.memref_squeeze %dma_start3A_77 : memref<1x256x64xf32, #tpu.memory_space<hbm>> -> memref<256x64xf32, #tpu.memory_space<hbm>>
    %dma_start3A_79 = arith.constant 0 : i32
    %dma_start3A_80 = tpu.memref_slice %arg4[%select_n3A, %mul3A_70, %dma_start3A_79] : memref<200x4096x64xf32, #tpu.memory_space<hbm>> -> memref<1x256x64xf32, #tpu.memory_space<hbm>>
    %dma_start3A_81 = tpu.memref_squeeze %dma_start3A_80 : memref<1x256x64xf32, #tpu.memory_space<hbm>> -> memref<256x64xf32, #tpu.memory_space<hbm>>
    %dma_start3A_82 = arith.constant 0 : i32
    %dma_start3A_83 = arith.constant 0 : i32
    %dma_start3A_84 = tpu.memref_slice %arg6[%dma_start3A_71, %dma_start3A_82, %dma_start3A_83] : memref<4x256x64xf32, #tpu.memory_space<vmem>> -> memref<1x256x64xf32, #tpu.memory_space<vmem>>
    %dma_start3A_85 = tpu.memref_squeeze %dma_start3A_84 : memref<1x256x64xf32, #tpu.memory_space<vmem>> -> memref<256x64xf32, #tpu.memory_space<vmem>>
    tpu.enqueue_dma source(%dma_start3A_85 : memref<256x64xf32, #tpu.memory_space<vmem>>) target(%dma_start3A_81 : memref<256x64xf32, #tpu.memory_space<hbm>>) target_semaphore(%arg11 : memref<!tpu.dma_semaphore, #tpu.memory_space<semaphore_mem>>)
    %dma_start3A_86 = arith.constant 2 : i32
    %dma_start3A_87 = arith.constant 2 : i32
    %dma_start3A_88 = arith.constant 0 : i32
    %dma_start3A_89 = arith.constant 0 : i32
    %dma_start3A_90 = tpu.memref_slice %arg6[%dma_start3A_87, %dma_start3A_88, %dma_start3A_89] : memref<4x256x64xf32, #tpu.memory_space<vmem>> -> memref<1x256x64xf32, #tpu.memory_space<vmem>>
    %dma_start3A_91 = tpu.memref_squeeze %dma_start3A_90 : memref<1x256x64xf32, #tpu.memory_space<vmem>> -> memref<256x64xf32, #tpu.memory_space<vmem>>
    %dma_start3A_92 = arith.constant 0 : i32
    %dma_start3A_93 = tpu.memref_slice %arg5[%dma_start3A_86, %dma_start3A_92] : memref<100x256xi32, #tpu.memory_space<vmem>> -> memref<1x256xi32, #tpu.memory_space<vmem>>
    %dma_start3A_94 = tpu.memref_squeeze %dma_start3A_93 : memref<1x256xi32, #tpu.memory_space<vmem>> -> memref<256xi32, #tpu.memory_space<vmem>>
    %dma_start3A_95 = arith.constant 0 : i32
    %dma_start3A_96 = arith.constant 0 : i32
    %dma_start3A_97 = tpu.memref_slice %arg3[%dma_start3A_95, %dma_start3A_96] : memref<1000000x64xf32, #tpu.memory_space<hbm>> -> memref<1000000x64xf32, #tpu.memory_space<hbm>>
    tpu.enqueue_indirect_dma source(%dma_start3A_97 : memref<1000000x64xf32, #tpu.memory_space<hbm>>) target(%dma_start3A_91 : memref<256x64xf32, #tpu.memory_space<vmem>>) offsets(%dma_start3A_94 : memref<256xi32, #tpu.memory_space<vmem>>) semaphore(%arg9 : memref<!tpu.dma_semaphore, #tpu.memory_space<semaphore_mem>>)
    %dma_wait3A_98 = arith.constant 0 : i32
    %dma_wait3A_99 = arith.constant 1 : i32
    %dma_wait3A_100 = arith.constant 0 : i32
    %dma_wait3A_101 = arith.constant 0 : i32
    %dma_wait3A_102 = tpu.memref_slice %arg6[%dma_wait3A_99, %dma_wait3A_100, %dma_wait3A_101] : memref<4x256x64xf32, #tpu.memory_space<vmem>> -> memref<1x256x64xf32, #tpu.memory_space<vmem>>
    %dma_wait3A_103 = tpu.memref_squeeze %dma_wait3A_102 : memref<1x256x64xf32, #tpu.memory_space<vmem>> -> memref<256x64xf32, #tpu.memory_space<vmem>>
    %dma_wait3A_104 = arith.constant 0 : i32
    %dma_wait3A_105 = tpu.memref_slice %arg5[%dma_wait3A_98, %dma_wait3A_104] : memref<100x256xi32, #tpu.memory_space<vmem>> -> memref<1x256xi32, #tpu.memory_space<vmem>>
    %dma_wait3A_106 = tpu.memref_squeeze %dma_wait3A_105 : memref<1x256xi32, #tpu.memory_space<vmem>> -> memref<256xi32, #tpu.memory_space<vmem>>
    %dma_wait3A_107 = arith.constant 0 : i32
    %dma_wait3A_108 = arith.constant 0 : i32
    %dma_wait3A_109 = tpu.memref_slice %arg3[%dma_wait3A_107, %dma_wait3A_108] : memref<1000000x64xf32, #tpu.memory_space<hbm>> -> memref<1000000x64xf32, #tpu.memory_space<hbm>>
    tpu.wait_indirect_dma semaphore(%arg8 : memref<!tpu.dma_semaphore, #tpu.memory_space<semaphore_mem>>) src(%dma_wait3A_109 : memref<1000000x64xf32, #tpu.memory_space<hbm>>) dst(%dma_wait3A_103 : memref<256x64xf32, #tpu.memory_space<vmem>>)
    %add3A_110 = arith.constant 1 : i32
    %add3A_111 = arith.addi %mul3A_2, %add3A_110 : i32
    %jit3A_112 = arith.constant 16 : i32
    %div3A_113 = arith.divsi %add3A_111, %jit3A_112 : i32
    %sign3A_114 = arith.constant 0 : i32
    %sign3A_115 = arith.cmpi sgt, %add3A_111, %sign3A_114 : i32
    %sign3A_116 = arith.extui %sign3A_115 : i1 to i32
    %sign3A_117 = arith.constant 0 : i32
    %sign3A_118 = arith.cmpi slt, %add3A_111, %sign3A_117 : i32
    %sign3A_119 = arith.extui %sign3A_118 : i1 to i32
    %sign3A_120 = arith.subi %sign3A_116, %sign3A_119 : i32
    %sign3A_121 = arith.constant 0 : i32
    %sign3A_122 = arith.cmpi sgt, %jit3A_112, %sign3A_121 : i32
    %sign3A_123 = arith.extui %sign3A_122 : i1 to i32
    %sign3A_124 = arith.constant 0 : i32
    %sign3A_125 = arith.cmpi slt, %jit3A_112, %sign3A_124 : i32
    %sign3A_126 = arith.extui %sign3A_125 : i1 to i32
    %sign3A_127 = arith.subi %sign3A_123, %sign3A_126 : i32
    %ne3A_128 = arith.cmpi ne, %sign3A_120, %sign3A_127 : i32
    %rem3A_129 = arith.remsi %add3A_111, %jit3A_112 : i32
    %ne3A_130 = arith.constant 0 : i32
    %ne3A_131 = arith.cmpi ne, %rem3A_129, %ne3A_130 : i32
    %and3A_132 = arith.andi %ne3A_128, %ne3A_131 : i1
    %sub3A_133 = arith.constant 1 : i32
    %sub3A_134 = arith.subi %div3A_113, %sub3A_133 : i32
    %select_n3A_135 = arith.select %and3A_132, %sub3A_134, %div3A_113 : i32
    %jit3A_136 = arith.constant 16 : i32
    %eq3A_137 = arith.constant 0 : i32
    %eq3A_138 = arith.cmpi eq, %jit3A_136, %eq3A_137 : i32
    %jit3A_139 = arith.constant 1 : i32
    %select_n3A_140 = arith.select %eq3A_138, %jit3A_139, %jit3A_136 : i32
    %rem3A_141 = arith.remsi %add3A_111, %select_n3A_140 : i32
    %ne3A_142 = arith.constant 0 : i32
    %ne3A_143 = arith.cmpi ne, %rem3A_141, %ne3A_142 : i32
    %lt3A_144 = arith.constant 0 : i32
    %lt3A_145 = arith.cmpi slt, %rem3A_141, %lt3A_144 : i32
    %lt3A_146 = arith.constant 0 : i32
    %lt3A_147 = arith.cmpi slt, %select_n3A_140, %lt3A_146 : i32
    %ne3A_148 = arith.xori %lt3A_145, %lt3A_147 : i1
    %and3A_149 = arith.andi %ne3A_148, %ne3A_143 : i1
    %add3A_150 = arith.addi %rem3A_141, %select_n3A_140 : i32
    %select_n3A_151 = arith.select %and3A_149, %add3A_150, %rem3A_141 : i32
    %mul3A_152 = arith.constant 256 : i32
    %mul3A_153 = arith.muli %select_n3A_151, %mul3A_152 : i32
    %dma_start3A_154 = arith.constant 1 : i32
    %dma_start3A_155 = arith.constant 0 : i32
    %dma_start3A_156 = arith.constant 0 : i32
    %dma_start3A_157 = tpu.memref_slice %arg6[%dma_start3A_154, %dma_start3A_155, %dma_start3A_156] : memref<4x256x64xf32, #tpu.memory_space<vmem>> -> memref<1x256x64xf32, #tpu.memory_space<vmem>>
    %dma_start3A_158 = tpu.memref_squeeze %dma_start3A_157 : memref<1x256x64xf32, #tpu.memory_space<vmem>> -> memref<256x64xf32, #tpu.memory_space<vmem>>
    %dma_start3A_159 = arith.constant 0 : i32
    %dma_start3A_160 = tpu.memref_slice %arg4[%select_n3A_135, %mul3A_153, %dma_start3A_159] : memref<200x4096x64xf32, #tpu.memory_space<hbm>> -> memref<1x256x64xf32, #tpu.memory_space<hbm>>
    %dma_start3A_161 = tpu.memref_squeeze %dma_start3A_160 : memref<1x256x64xf32, #tpu.memory_space<hbm>> -> memref<256x64xf32, #tpu.memory_space<hbm>>
    %dma_start3A_162 = arith.constant 0 : i32
    %dma_start3A_163 = tpu.memref_slice %arg4[%select_n3A_135, %mul3A_153, %dma_start3A_162] : memref<200x4096x64xf32, #tpu.memory_space<hbm>> -> memref<1x256x64xf32, #tpu.memory_space<hbm>>
    %dma_start3A_164 = tpu.memref_squeeze %dma_start3A_163 : memref<1x256x64xf32, #tpu.memory_space<hbm>> -> memref<256x64xf32, #tpu.memory_space<hbm>>
    %dma_start3A_165 = arith.constant 0 : i32
    %dma_start3A_166 = arith.constant 0 : i32
    %dma_start3A_167 = tpu.memref_slice %arg6[%dma_start3A_154, %dma_start3A_165, %dma_start3A_166] : memref<4x256x64xf32, #tpu.memory_space<vmem>> -> memref<1x256x64xf32, #tpu.memory_space<vmem>>
    %dma_start3A_168 = tpu.memref_squeeze %dma_start3A_167 : memref<1x256x64xf32, #tpu.memory_space<vmem>> -> memref<256x64xf32, #tpu.memory_space<vmem>>
    tpu.enqueue_dma source(%dma_start3A_168 : memref<256x64xf32, #tpu.memory_space<vmem>>) target(%dma_start3A_164 : memref<256x64xf32, #tpu.memory_space<hbm>>) target_semaphore(%arg12 : memref<!tpu.dma_semaphore, #tpu.memory_space<semaphore_mem>>)
    %dma_start3A_169 = arith.constant 3 : i32
    %dma_start3A_170 = arith.constant 3 : i32
    %dma_start3A_171 = arith.constant 0 : i32
    %dma_start3A_172 = arith.constant 0 : i32
    %dma_start3A_173 = tpu.memref_slice %arg6[%dma_start3A_170, %dma_start3A_171, %dma_start3A_172] : memref<4x256x64xf32, #tpu.memory_space<vmem>> -> memref<1x256x64xf32, #tpu.memory_space<vmem>>
    %dma_start3A_174 = tpu.memref_squeeze %dma_start3A_173 : memref<1x256x64xf32, #tpu.memory_space<vmem>> -> memref<256x64xf32, #tpu.memory_space<vmem>>
    %dma_start3A_175 = arith.constant 0 : i32
    %dma_start3A_176 = tpu.memref_slice %arg5[%dma_start3A_169, %dma_start3A_175] : memref<100x256xi32, #tpu.memory_space<vmem>> -> memref<1x256xi32, #tpu.memory_space<vmem>>
    %dma_start3A_177 = tpu.memref_squeeze %dma_start3A_176 : memref<1x256xi32, #tpu.memory_space<vmem>> -> memref<256xi32, #tpu.memory_space<vmem>>
    %dma_start3A_178 = arith.constant 0 : i32
    %dma_start3A_179 = arith.constant 0 : i32
    %dma_start3A_180 = tpu.memref_slice %arg3[%dma_start3A_178, %dma_start3A_179] : memref<1000000x64xf32, #tpu.memory_space<hbm>> -> memref<1000000x64xf32, #tpu.memory_space<hbm>>
    tpu.enqueue_indirect_dma source(%dma_start3A_180 : memref<1000000x64xf32, #tpu.memory_space<hbm>>) target(%dma_start3A_174 : memref<256x64xf32, #tpu.memory_space<vmem>>) offsets(%dma_start3A_177 : memref<256xi32, #tpu.memory_space<vmem>>) semaphore(%arg10 : memref<!tpu.dma_semaphore, #tpu.memory_space<semaphore_mem>>)
    %scan3A = arith.constant 0 : i32
    %scan3A_181 = arith.constant 0 : i32
    %scan3A_182 = arith.constant 24 : i32
    %scan3A_183 = arith.addi %scan3A_181, %scan3A_182 : i32
    %scan3A_184 = arith.constant 1 : i32
    scf.for %scan3A_400 = %scan3A_181 to %scan3A_183 step %scan3A_184  : i32 {
      %mul3A_401 = arith.constant 4 : i32
      %mul3A_402 = arith.muli %scan3A_400, %mul3A_401 : i32
      %add3A_403 = arith.constant 2 : i32
      %add3A_404 = arith.addi %add3A_403, %mul3A_402 : i32
      %add3A_405 = arith.constant 0 : i32
      %add3A_406 = arith.addi %add3A_404, %add3A_405 : i32
      %dma_wait3A_407 = arith.constant 0 : i32
      %dma_wait3A_408 = arith.constant 2 : i32
      %dma_wait3A_409 = arith.constant 0 : i32
      %dma_wait3A_410 = arith.constant 0 : i32
      %dma_wait3A_411 = tpu.memref_slice %arg6[%dma_wait3A_408, %dma_wait3A_409, %dma_wait3A_410] : memref<4x256x64xf32, #tpu.memory_space<vmem>> -> memref<1x256x64xf32, #tpu.memory_space<vmem>>
      %dma_wait3A_412 = tpu.memref_squeeze %dma_wait3A_411 : memref<1x256x64xf32, #tpu.memory_space<vmem>> -> memref<256x64xf32, #tpu.memory_space<vmem>>
      %dma_wait3A_413 = arith.constant 0 : i32
      %dma_wait3A_414 = tpu.memref_slice %arg5[%dma_wait3A_407, %dma_wait3A_413] : memref<100x256xi32, #tpu.memory_space<vmem>> -> memref<1x256xi32, #tpu.memory_space<vmem>>
      %dma_wait3A_415 = tpu.memref_squeeze %dma_wait3A_414 : memref<1x256xi32, #tpu.memory_space<vmem>> -> memref<256xi32, #tpu.memory_space<vmem>>
      %dma_wait3A_416 = arith.constant 0 : i32
      %dma_wait3A_417 = arith.constant 0 : i32
      %dma_wait3A_418 = tpu.memref_slice %arg3[%dma_wait3A_416, %dma_wait3A_417] : memref<1000000x64xf32, #tpu.memory_space<hbm>> -> memref<1000000x64xf32, #tpu.memory_space<hbm>>
      tpu.wait_indirect_dma semaphore(%arg9 : memref<!tpu.dma_semaphore, #tpu.memory_space<semaphore_mem>>) src(%dma_wait3A_418 : memref<1000000x64xf32, #tpu.memory_space<hbm>>) dst(%dma_wait3A_412 : memref<256x64xf32, #tpu.memory_space<vmem>>)
      %add3A_419 = arith.addi %mul3A_2, %add3A_406 : i32
      %jit3A_420 = arith.constant 16 : i32
      %div3A_421 = arith.divsi %add3A_419, %jit3A_420 : i32
      %sign3A_422 = arith.constant 0 : i32
      %sign3A_423 = arith.cmpi sgt, %add3A_419, %sign3A_422 : i32
      %sign3A_424 = arith.extui %sign3A_423 : i1 to i32
      %sign3A_425 = arith.constant 0 : i32
      %sign3A_426 = arith.cmpi slt, %add3A_419, %sign3A_425 : i32
      %sign3A_427 = arith.extui %sign3A_426 : i1 to i32
      %sign3A_428 = arith.subi %sign3A_424, %sign3A_427 : i32
      %sign3A_429 = arith.constant 0 : i32
      %sign3A_430 = arith.cmpi sgt, %jit3A_420, %sign3A_429 : i32
      %sign3A_431 = arith.extui %sign3A_430 : i1 to i32
      %sign3A_432 = arith.constant 0 : i32
      %sign3A_433 = arith.cmpi slt, %jit3A_420, %sign3A_432 : i32
      %sign3A_434 = arith.extui %sign3A_433 : i1 to i32
      %sign3A_435 = arith.subi %sign3A_431, %sign3A_434 : i32
      %ne3A_436 = arith.cmpi ne, %sign3A_428, %sign3A_435 : i32
      %rem3A_437 = arith.remsi %add3A_419, %jit3A_420 : i32
      %ne3A_438 = arith.constant 0 : i32
      %ne3A_439 = arith.cmpi ne, %rem3A_437, %ne3A_438 : i32
      %and3A_440 = arith.andi %ne3A_436, %ne3A_439 : i1
      %sub3A_441 = arith.constant 1 : i32
      %sub3A_442 = arith.subi %div3A_421, %sub3A_441 : i32
      %select_n3A_443 = arith.select %and3A_440, %sub3A_442, %div3A_421 : i32
      %jit3A_444 = arith.constant 16 : i32
      %eq3A_445 = arith.constant 0 : i32
      %eq3A_446 = arith.cmpi eq, %jit3A_444, %eq3A_445 : i32
      %jit3A_447 = arith.constant 1 : i32
      %select_n3A_448 = arith.select %eq3A_446, %jit3A_447, %jit3A_444 : i32
      %rem3A_449 = arith.remsi %add3A_419, %select_n3A_448 : i32
      %ne3A_450 = arith.constant 0 : i32
      %ne3A_451 = arith.cmpi ne, %rem3A_449, %ne3A_450 : i32
      %lt3A_452 = arith.constant 0 : i32
      %lt3A_453 = arith.cmpi slt, %rem3A_449, %lt3A_452 : i32
      %lt3A_454 = arith.constant 0 : i32
      %lt3A_455 = arith.cmpi slt, %select_n3A_448, %lt3A_454 : i32
      %ne3A_456 = arith.xori %lt3A_453, %lt3A_455 : i1
      %and3A_457 = arith.andi %ne3A_456, %ne3A_451 : i1
      %add3A_458 = arith.addi %rem3A_449, %select_n3A_448 : i32
      %select_n3A_459 = arith.select %and3A_457, %add3A_458, %rem3A_449 : i32
      %mul3A_460 = arith.constant 256 : i32
      %mul3A_461 = arith.muli %select_n3A_459, %mul3A_460 : i32
      %dma_start3A_462 = arith.constant 2 : i32
      %dma_start3A_463 = arith.constant 0 : i32
      %dma_start3A_464 = arith.constant 0 : i32
      %dma_start3A_465 = tpu.memref_slice %arg6[%dma_start3A_462, %dma_start3A_463, %dma_start3A_464] : memref<4x256x64xf32, #tpu.memory_space<vmem>> -> memref<1x256x64xf32, #tpu.memory_space<vmem>>
      %dma_start3A_466 = tpu.memref_squeeze %dma_start3A_465 : memref<1x256x64xf32, #tpu.memory_space<vmem>> -> memref<256x64xf32, #tpu.memory_space<vmem>>
      %dma_start3A_467 = arith.constant 0 : i32
      %dma_start3A_468 = tpu.memref_slice %arg4[%select_n3A_443, %mul3A_461, %dma_start3A_467] : memref<200x4096x64xf32, #tpu.memory_space<hbm>> -> memref<1x256x64xf32, #tpu.memory_space<hbm>>
      %dma_start3A_469 = tpu.memref_squeeze %dma_start3A_468 : memref<1x256x64xf32, #tpu.memory_space<hbm>> -> memref<256x64xf32, #tpu.memory_space<hbm>>
      %dma_start3A_470 = arith.constant 0 : i32
      %dma_start3A_471 = tpu.memref_slice %arg4[%select_n3A_443, %mul3A_461, %dma_start3A_470] : memref<200x4096x64xf32, #tpu.memory_space<hbm>> -> memref<1x256x64xf32, #tpu.memory_space<hbm>>
      %dma_start3A_472 = tpu.memref_squeeze %dma_start3A_471 : memref<1x256x64xf32, #tpu.memory_space<hbm>> -> memref<256x64xf32, #tpu.memory_space<hbm>>
      %dma_start3A_473 = arith.constant 0 : i32
      %dma_start3A_474 = arith.constant 0 : i32
      %dma_start3A_475 = tpu.memref_slice %arg6[%dma_start3A_462, %dma_start3A_473, %dma_start3A_474] : memref<4x256x64xf32, #tpu.memory_space<vmem>> -> memref<1x256x64xf32, #tpu.memory_space<vmem>>
      %dma_start3A_476 = tpu.memref_squeeze %dma_start3A_475 : memref<1x256x64xf32, #tpu.memory_space<vmem>> -> memref<256x64xf32, #tpu.memory_space<vmem>>
      tpu.enqueue_dma source(%dma_start3A_476 : memref<256x64xf32, #tpu.memory_space<vmem>>) target(%dma_start3A_472 : memref<256x64xf32, #tpu.memory_space<hbm>>) target_semaphore(%arg13 : memref<!tpu.dma_semaphore, #tpu.memory_space<semaphore_mem>>)
      %dma_wait3A_477 = arith.constant 0 : i32
      %dma_wait3A_478 = arith.constant 0 : i32
      %dma_wait3A_479 = arith.constant 0 : i32
      %dma_wait3A_480 = arith.constant 0 : i32
      %dma_wait3A_481 = tpu.memref_slice %arg6[%dma_wait3A_477, %dma_wait3A_479, %dma_wait3A_480] : memref<4x256x64xf32, #tpu.memory_space<vmem>> -> memref<1x256x64xf32, #tpu.memory_space<vmem>>
      %dma_wait3A_482 = tpu.memref_squeeze %dma_wait3A_481 : memref<1x256x64xf32, #tpu.memory_space<vmem>> -> memref<256x64xf32, #tpu.memory_space<vmem>>
      %dma_wait3A_483 = arith.constant 0 : i32
      %dma_wait3A_484 = arith.constant 0 : i32
      %dma_wait3A_485 = tpu.memref_slice %arg4[%dma_wait3A_478, %dma_wait3A_483, %dma_wait3A_484] : memref<200x4096x64xf32, #tpu.memory_space<hbm>> -> memref<1x256x64xf32, #tpu.memory_space<hbm>>
      %dma_wait3A_486 = tpu.memref_squeeze %dma_wait3A_485 : memref<1x256x64xf32, #tpu.memory_space<hbm>> -> memref<256x64xf32, #tpu.memory_space<hbm>>
      %dma_wait3A_487 = arith.constant 0 : i32
      %dma_wait3A_488 = arith.constant 0 : i32
      %dma_wait3A_489 = tpu.memref_slice %arg4[%dma_wait3A_478, %dma_wait3A_487, %dma_wait3A_488] : memref<200x4096x64xf32, #tpu.memory_space<hbm>> -> memref<1x256x64xf32, #tpu.memory_space<hbm>>
      %dma_wait3A_490 = tpu.memref_squeeze %dma_wait3A_489 : memref<1x256x64xf32, #tpu.memory_space<hbm>> -> memref<256x64xf32, #tpu.memory_space<hbm>>
      %dma_wait3A_491 = arith.constant 0 : i32
      %dma_wait3A_492 = arith.constant 0 : i32
      %dma_wait3A_493 = tpu.memref_slice %arg6[%dma_wait3A_477, %dma_wait3A_491, %dma_wait3A_492] : memref<4x256x64xf32, #tpu.memory_space<vmem>> -> memref<1x256x64xf32, #tpu.memory_space<vmem>>
      %dma_wait3A_494 = tpu.memref_squeeze %dma_wait3A_493 : memref<1x256x64xf32, #tpu.memory_space<vmem>> -> memref<256x64xf32, #tpu.memory_space<vmem>>
      tpu.wait_dma2 semaphore(%arg11 : memref<!tpu.dma_semaphore, #tpu.memory_space<semaphore_mem>>) src(%dma_wait3A_494 : memref<256x64xf32, #tpu.memory_space<vmem>>) dst(%dma_wait3A_490 : memref<256x64xf32, #tpu.memory_space<hbm>>)
      %add3A_495 = arith.constant 2 : i32
      %add3A_496 = arith.addi %add3A_406, %add3A_495 : i32
      %dma_start3A_497 = arith.constant 0 : i32
      %dma_start3A_498 = arith.constant 0 : i32
      %dma_start3A_499 = arith.constant 0 : i32
      %dma_start3A_500 = tpu.memref_slice %arg6[%dma_start3A_497, %dma_start3A_498, %dma_start3A_499] : memref<4x256x64xf32, #tpu.memory_space<vmem>> -> memref<1x256x64xf32, #tpu.memory_space<vmem>>
      %dma_start3A_501 = tpu.memref_squeeze %dma_start3A_500 : memref<1x256x64xf32, #tpu.memory_space<vmem>> -> memref<256x64xf32, #tpu.memory_space<vmem>>
      %dma_start3A_502 = arith.constant 0 : i32
      %dma_start3A_503 = tpu.memref_slice %arg5[%add3A_496, %dma_start3A_502] : memref<100x256xi32, #tpu.memory_space<vmem>> -> memref<1x256xi32, #tpu.memory_space<vmem>>
      %dma_start3A_504 = tpu.memref_squeeze %dma_start3A_503 : memref<1x256xi32, #tpu.memory_space<vmem>> -> memref<256xi32, #tpu.memory_space<vmem>>
      %dma_start3A_505 = arith.constant 0 : i32
      %dma_start3A_506 = arith.constant 0 : i32
      %dma_start3A_507 = tpu.memref_slice %arg3[%dma_start3A_505, %dma_start3A_506] : memref<1000000x64xf32, #tpu.memory_space<hbm>> -> memref<1000000x64xf32, #tpu.memory_space<hbm>>
      tpu.enqueue_indirect_dma source(%dma_start3A_507 : memref<1000000x64xf32, #tpu.memory_space<hbm>>) target(%dma_start3A_501 : memref<256x64xf32, #tpu.memory_space<vmem>>) offsets(%dma_start3A_504 : memref<256xi32, #tpu.memory_space<vmem>>) semaphore(%arg7 : memref<!tpu.dma_semaphore, #tpu.memory_space<semaphore_mem>>)
      %mul3A_508 = arith.constant 4 : i32
      %mul3A_509 = arith.muli %scan3A_400, %mul3A_508 : i32
      %add3A_510 = arith.constant 2 : i32
      %add3A_511 = arith.addi %add3A_510, %mul3A_509 : i32
      %add3A_512 = arith.constant 1 : i32
      %add3A_513 = arith.addi %add3A_511, %add3A_512 : i32
      %dma_wait3A_514 = arith.constant 0 : i32
      %dma_wait3A_515 = arith.constant 3 : i32
      %dma_wait3A_516 = arith.constant 0 : i32
      %dma_wait3A_517 = arith.constant 0 : i32
      %dma_wait3A_518 = tpu.memref_slice %arg6[%dma_wait3A_515, %dma_wait3A_516, %dma_wait3A_517] : memref<4x256x64xf32, #tpu.memory_space<vmem>> -> memref<1x256x64xf32, #tpu.memory_space<vmem>>
      %dma_wait3A_519 = tpu.memref_squeeze %dma_wait3A_518 : memref<1x256x64xf32, #tpu.memory_space<vmem>> -> memref<256x64xf32, #tpu.memory_space<vmem>>
      %dma_wait3A_520 = arith.constant 0 : i32
      %dma_wait3A_521 = tpu.memref_slice %arg5[%dma_wait3A_514, %dma_wait3A_520] : memref<100x256xi32, #tpu.memory_space<vmem>> -> memref<1x256xi32, #tpu.memory_space<vmem>>
      %dma_wait3A_522 = tpu.memref_squeeze %dma_wait3A_521 : memref<1x256xi32, #tpu.memory_space<vmem>> -> memref<256xi32, #tpu.memory_space<vmem>>
      %dma_wait3A_523 = arith.constant 0 : i32
      %dma_wait3A_524 = arith.constant 0 : i32
      %dma_wait3A_525 = tpu.memref_slice %arg3[%dma_wait3A_523, %dma_wait3A_524] : memref<1000000x64xf32, #tpu.memory_space<hbm>> -> memref<1000000x64xf32, #tpu.memory_space<hbm>>
      tpu.wait_indirect_dma semaphore(%arg10 : memref<!tpu.dma_semaphore, #tpu.memory_space<semaphore_mem>>) src(%dma_wait3A_525 : memref<1000000x64xf32, #tpu.memory_space<hbm>>) dst(%dma_wait3A_519 : memref<256x64xf32, #tpu.memory_space<vmem>>)
      %add3A_526 = arith.addi %mul3A_2, %add3A_513 : i32
      %jit3A_527 = arith.constant 16 : i32
      %div3A_528 = arith.divsi %add3A_526, %jit3A_527 : i32
      %sign3A_529 = arith.constant 0 : i32
      %sign3A_530 = arith.cmpi sgt, %add3A_526, %sign3A_529 : i32
      %sign3A_531 = arith.extui %sign3A_530 : i1 to i32
      %sign3A_532 = arith.constant 0 : i32
      %sign3A_533 = arith.cmpi slt, %add3A_526, %sign3A_532 : i32
      %sign3A_534 = arith.extui %sign3A_533 : i1 to i32
      %sign3A_535 = arith.subi %sign3A_531, %sign3A_534 : i32
      %sign3A_536 = arith.constant 0 : i32
      %sign3A_537 = arith.cmpi sgt, %jit3A_527, %sign3A_536 : i32
      %sign3A_538 = arith.extui %sign3A_537 : i1 to i32
      %sign3A_539 = arith.constant 0 : i32
      %sign3A_540 = arith.cmpi slt, %jit3A_527, %sign3A_539 : i32
      %sign3A_541 = arith.extui %sign3A_540 : i1 to i32
      %sign3A_542 = arith.subi %sign3A_538, %sign3A_541 : i32
      %ne3A_543 = arith.cmpi ne, %sign3A_535, %sign3A_542 : i32
      %rem3A_544 = arith.remsi %add3A_526, %jit3A_527 : i32
      %ne3A_545 = arith.constant 0 : i32
      %ne3A_546 = arith.cmpi ne, %rem3A_544, %ne3A_545 : i32
      %and3A_547 = arith.andi %ne3A_543, %ne3A_546 : i1
      %sub3A_548 = arith.constant 1 : i32
      %sub3A_549 = arith.subi %div3A_528, %sub3A_548 : i32
      %select_n3A_550 = arith.select %and3A_547, %sub3A_549, %div3A_528 : i32
      %jit3A_551 = arith.constant 16 : i32
      %eq3A_552 = arith.constant 0 : i32
      %eq3A_553 = arith.cmpi eq, %jit3A_551, %eq3A_552 : i32
      %jit3A_554 = arith.constant 1 : i32
      %select_n3A_555 = arith.select %eq3A_553, %jit3A_554, %jit3A_551 : i32
      %rem3A_556 = arith.remsi %add3A_526, %select_n3A_555 : i32
      %ne3A_557 = arith.constant 0 : i32
      %ne3A_558 = arith.cmpi ne, %rem3A_556, %ne3A_557 : i32
      %lt3A_559 = arith.constant 0 : i32
      %lt3A_560 = arith.cmpi slt, %rem3A_556, %lt3A_559 : i32
      %lt3A_561 = arith.constant 0 : i32
      %lt3A_562 = arith.cmpi slt, %select_n3A_555, %lt3A_561 : i32
      %ne3A_563 = arith.xori %lt3A_560, %lt3A_562 : i1
      %and3A_564 = arith.andi %ne3A_563, %ne3A_558 : i1
      %add3A_565 = arith.addi %rem3A_556, %select_n3A_555 : i32
      %select_n3A_566 = arith.select %and3A_564, %add3A_565, %rem3A_556 : i32
      %mul3A_567 = arith.constant 256 : i32
      %mul3A_568 = arith.muli %select_n3A_566, %mul3A_567 : i32
      %dma_start3A_569 = arith.constant 3 : i32
      %dma_start3A_570 = arith.constant 0 : i32
      %dma_start3A_571 = arith.constant 0 : i32
      %dma_start3A_572 = tpu.memref_slice %arg6[%dma_start3A_569, %dma_start3A_570, %dma_start3A_571] : memref<4x256x64xf32, #tpu.memory_space<vmem>> -> memref<1x256x64xf32, #tpu.memory_space<vmem>>
      %dma_start3A_573 = tpu.memref_squeeze %dma_start3A_572 : memref<1x256x64xf32, #tpu.memory_space<vmem>> -> memref<256x64xf32, #tpu.memory_space<vmem>>
      %dma_start3A_574 = arith.constant 0 : i32
      %dma_start3A_575 = tpu.memref_slice %arg4[%select_n3A_550, %mul3A_568, %dma_start3A_574] : memref<200x4096x64xf32, #tpu.memory_space<hbm>> -> memref<1x256x64xf32, #tpu.memory_space<hbm>>
      %dma_start3A_576 = tpu.memref_squeeze %dma_start3A_575 : memref<1x256x64xf32, #tpu.memory_space<hbm>> -> memref<256x64xf32, #tpu.memory_space<hbm>>
      %dma_start3A_577 = arith.constant 0 : i32
      %dma_start3A_578 = tpu.memref_slice %arg4[%select_n3A_550, %mul3A_568, %dma_start3A_577] : memref<200x4096x64xf32, #tpu.memory_space<hbm>> -> memref<1x256x64xf32, #tpu.memory_space<hbm>>
      %dma_start3A_579 = tpu.memref_squeeze %dma_start3A_578 : memref<1x256x64xf32, #tpu.memory_space<hbm>> -> memref<256x64xf32, #tpu.memory_space<hbm>>
      %dma_start3A_580 = arith.constant 0 : i32
      %dma_start3A_581 = arith.constant 0 : i32
      %dma_start3A_582 = tpu.memref_slice %arg6[%dma_start3A_569, %dma_start3A_580, %dma_start3A_581] : memref<4x256x64xf32, #tpu.memory_space<vmem>> -> memref<1x256x64xf32, #tpu.memory_space<vmem>>
      %dma_start3A_583 = tpu.memref_squeeze %dma_start3A_582 : memref<1x256x64xf32, #tpu.memory_space<vmem>> -> memref<256x64xf32, #tpu.memory_space<vmem>>
      tpu.enqueue_dma source(%dma_start3A_583 : memref<256x64xf32, #tpu.memory_space<vmem>>) target(%dma_start3A_579 : memref<256x64xf32, #tpu.memory_space<hbm>>) target_semaphore(%arg14 : memref<!tpu.dma_semaphore, #tpu.memory_space<semaphore_mem>>)
      %dma_wait3A_584 = arith.constant 1 : i32
      %dma_wait3A_585 = arith.constant 0 : i32
      %dma_wait3A_586 = arith.constant 0 : i32
      %dma_wait3A_587 = arith.constant 0 : i32
      %dma_wait3A_588 = tpu.memref_slice %arg6[%dma_wait3A_584, %dma_wait3A_586, %dma_wait3A_587] : memref<4x256x64xf32, #tpu.memory_space<vmem>> -> memref<1x256x64xf32, #tpu.memory_space<vmem>>
      %dma_wait3A_589 = tpu.memref_squeeze %dma_wait3A_588 : memref<1x256x64xf32, #tpu.memory_space<vmem>> -> memref<256x64xf32, #tpu.memory_space<vmem>>
      %dma_wait3A_590 = arith.constant 0 : i32
      %dma_wait3A_591 = arith.constant 0 : i32
      %dma_wait3A_592 = tpu.memref_slice %arg4[%dma_wait3A_585, %dma_wait3A_590, %dma_wait3A_591] : memref<200x4096x64xf32, #tpu.memory_space<hbm>> -> memref<1x256x64xf32, #tpu.memory_space<hbm>>
      %dma_wait3A_593 = tpu.memref_squeeze %dma_wait3A_592 : memref<1x256x64xf32, #tpu.memory_space<hbm>> -> memref<256x64xf32, #tpu.memory_space<hbm>>
      %dma_wait3A_594 = arith.constant 0 : i32
      %dma_wait3A_595 = arith.constant 0 : i32
      %dma_wait3A_596 = tpu.memref_slice %arg4[%dma_wait3A_585, %dma_wait3A_594, %dma_wait3A_595] : memref<200x4096x64xf32, #tpu.memory_space<hbm>> -> memref<1x256x64xf32, #tpu.memory_space<hbm>>
      %dma_wait3A_597 = tpu.memref_squeeze %dma_wait3A_596 : memref<1x256x64xf32, #tpu.memory_space<hbm>> -> memref<256x64xf32, #tpu.memory_space<hbm>>
      %dma_wait3A_598 = arith.constant 0 : i32
      %dma_wait3A_599 = arith.constant 0 : i32
      %dma_wait3A_600 = tpu.memref_slice %arg6[%dma_wait3A_584, %dma_wait3A_598, %dma_wait3A_599] : memref<4x256x64xf32, #tpu.memory_space<vmem>> -> memref<1x256x64xf32, #tpu.memory_space<vmem>>
      %dma_wait3A_601 = tpu.memref_squeeze %dma_wait3A_600 : memref<1x256x64xf32, #tpu.memory_space<vmem>> -> memref<256x64xf32, #tpu.memory_space<vmem>>
      tpu.wait_dma2 semaphore(%arg12 : memref<!tpu.dma_semaphore, #tpu.memory_space<semaphore_mem>>) src(%dma_wait3A_601 : memref<256x64xf32, #tpu.memory_space<vmem>>) dst(%dma_wait3A_597 : memref<256x64xf32, #tpu.memory_space<hbm>>)
      %add3A_602 = arith.constant 2 : i32
      %add3A_603 = arith.addi %add3A_513, %add3A_602 : i32
      %dma_start3A_604 = arith.constant 1 : i32
      %dma_start3A_605 = arith.constant 0 : i32
      %dma_start3A_606 = arith.constant 0 : i32
      %dma_start3A_607 = tpu.memref_slice %arg6[%dma_start3A_604, %dma_start3A_605, %dma_start3A_606] : memref<4x256x64xf32, #tpu.memory_space<vmem>> -> memref<1x256x64xf32, #tpu.memory_space<vmem>>
      %dma_start3A_608 = tpu.memref_squeeze %dma_start3A_607 : memref<1x256x64xf32, #tpu.memory_space<vmem>> -> memref<256x64xf32, #tpu.memory_space<vmem>>
      %dma_start3A_609 = arith.constant 0 : i32
      %dma_start3A_610 = tpu.memref_slice %arg5[%add3A_603, %dma_start3A_609] : memref<100x256xi32, #tpu.memory_space<vmem>> -> memref<1x256xi32, #tpu.memory_space<vmem>>
      %dma_start3A_611 = tpu.memref_squeeze %dma_start3A_610 : memref<1x256xi32, #tpu.memory_space<vmem>> -> memref<256xi32, #tpu.memory_space<vmem>>
      %dma_start3A_612 = arith.constant 0 : i32
      %dma_start3A_613 = arith.constant 0 : i32
      %dma_start3A_614 = tpu.memref_slice %arg3[%dma_start3A_612, %dma_start3A_613] : memref<1000000x64xf32, #tpu.memory_space<hbm>> -> memref<1000000x64xf32, #tpu.memory_space<hbm>>
      tpu.enqueue_indirect_dma source(%dma_start3A_614 : memref<1000000x64xf32, #tpu.memory_space<hbm>>) target(%dma_start3A_608 : memref<256x64xf32, #tpu.memory_space<vmem>>) offsets(%dma_start3A_611 : memref<256xi32, #tpu.memory_space<vmem>>) semaphore(%arg8 : memref<!tpu.dma_semaphore, #tpu.memory_space<semaphore_mem>>)
      %mul3A_615 = arith.constant 4 : i32
      %mul3A_616 = arith.muli %scan3A_400, %mul3A_615 : i32
      %add3A_617 = arith.constant 2 : i32
      %add3A_618 = arith.addi %add3A_617, %mul3A_616 : i32
      %add3A_619 = arith.constant 2 : i32
      %add3A_620 = arith.addi %add3A_618, %add3A_619 : i32
      %dma_wait3A_621 = arith.constant 0 : i32
      %dma_wait3A_622 = arith.constant 0 : i32
      %dma_wait3A_623 = arith.constant 0 : i32
      %dma_wait3A_624 = arith.constant 0 : i32
      %dma_wait3A_625 = tpu.memref_slice %arg6[%dma_wait3A_622, %dma_wait3A_623, %dma_wait3A_624] : memref<4x256x64xf32, #tpu.memory_space<vmem>> -> memref<1x256x64xf32, #tpu.memory_space<vmem>>
      %dma_wait3A_626 = tpu.memref_squeeze %dma_wait3A_625 : memref<1x256x64xf32, #tpu.memory_space<vmem>> -> memref<256x64xf32, #tpu.memory_space<vmem>>
      %dma_wait3A_627 = arith.constant 0 : i32
      %dma_wait3A_628 = tpu.memref_slice %arg5[%dma_wait3A_621, %dma_wait3A_627] : memref<100x256xi32, #tpu.memory_space<vmem>> -> memref<1x256xi32, #tpu.memory_space<vmem>>
      %dma_wait3A_629 = tpu.memref_squeeze %dma_wait3A_628 : memref<1x256xi32, #tpu.memory_space<vmem>> -> memref<256xi32, #tpu.memory_space<vmem>>
      %dma_wait3A_630 = arith.constant 0 : i32
      %dma_wait3A_631 = arith.constant 0 : i32
      %dma_wait3A_632 = tpu.memref_slice %arg3[%dma_wait3A_630, %dma_wait3A_631] : memref<1000000x64xf32, #tpu.memory_space<hbm>> -> memref<1000000x64xf32, #tpu.memory_space<hbm>>
      tpu.wait_indirect_dma semaphore(%arg7 : memref<!tpu.dma_semaphore, #tpu.memory_space<semaphore_mem>>) src(%dma_wait3A_632 : memref<1000000x64xf32, #tpu.memory_space<hbm>>) dst(%dma_wait3A_626 : memref<256x64xf32, #tpu.memory_space<vmem>>)
      %add3A_633 = arith.addi %mul3A_2, %add3A_620 : i32
      %jit3A_634 = arith.constant 16 : i32
      %div3A_635 = arith.divsi %add3A_633, %jit3A_634 : i32
      %sign3A_636 = arith.constant 0 : i32
      %sign3A_637 = arith.cmpi sgt, %add3A_633, %sign3A_636 : i32
      %sign3A_638 = arith.extui %sign3A_637 : i1 to i32
      %sign3A_639 = arith.constant 0 : i32
      %sign3A_640 = arith.cmpi slt, %add3A_633, %sign3A_639 : i32
      %sign3A_641 = arith.extui %sign3A_640 : i1 to i32
      %sign3A_642 = arith.subi %sign3A_638, %sign3A_641 : i32
      %sign3A_643 = arith.constant 0 : i32
      %sign3A_644 = arith.cmpi sgt, %jit3A_634, %sign3A_643 : i32
      %sign3A_645 = arith.extui %sign3A_644 : i1 to i32
      %sign3A_646 = arith.constant 0 : i32
      %sign3A_647 = arith.cmpi slt, %jit3A_634, %sign3A_646 : i32
      %sign3A_648 = arith.extui %sign3A_647 : i1 to i32
      %sign3A_649 = arith.subi %sign3A_645, %sign3A_648 : i32
      %ne3A_650 = arith.cmpi ne, %sign3A_642, %sign3A_649 : i32
      %rem3A_651 = arith.remsi %add3A_633, %jit3A_634 : i32
      %ne3A_652 = arith.constant 0 : i32
      %ne3A_653 = arith.cmpi ne, %rem3A_651, %ne3A_652 : i32
      %and3A_654 = arith.andi %ne3A_650, %ne3A_653 : i1
      %sub3A_655 = arith.constant 1 : i32
      %sub3A_656 = arith.subi %div3A_635, %sub3A_655 : i32
      %select_n3A_657 = arith.select %and3A_654, %sub3A_656, %div3A_635 : i32
      %jit3A_658 = arith.constant 16 : i32
      %eq3A_659 = arith.constant 0 : i32
      %eq3A_660 = arith.cmpi eq, %jit3A_658, %eq3A_659 : i32
      %jit3A_661 = arith.constant 1 : i32
      %select_n3A_662 = arith.select %eq3A_660, %jit3A_661, %jit3A_658 : i32
      %rem3A_663 = arith.remsi %add3A_633, %select_n3A_662 : i32
      %ne3A_664 = arith.constant 0 : i32
      %ne3A_665 = arith.cmpi ne, %rem3A_663, %ne3A_664 : i32
      %lt3A_666 = arith.constant 0 : i32
      %lt3A_667 = arith.cmpi slt, %rem3A_663, %lt3A_666 : i32
      %lt3A_668 = arith.constant 0 : i32
      %lt3A_669 = arith.cmpi slt, %select_n3A_662, %lt3A_668 : i32
      %ne3A_670 = arith.xori %lt3A_667, %lt3A_669 : i1
      %and3A_671 = arith.andi %ne3A_670, %ne3A_665 : i1
      %add3A_672 = arith.addi %rem3A_663, %select_n3A_662 : i32
      %select_n3A_673 = arith.select %and3A_671, %add3A_672, %rem3A_663 : i32
      %mul3A_674 = arith.constant 256 : i32
      %mul3A_675 = arith.muli %select_n3A_673, %mul3A_674 : i32
      %dma_start3A_676 = arith.constant 0 : i32
      %dma_start3A_677 = arith.constant 0 : i32
      %dma_start3A_678 = arith.constant 0 : i32
      %dma_start3A_679 = tpu.memref_slice %arg6[%dma_start3A_676, %dma_start3A_677, %dma_start3A_678] : memref<4x256x64xf32, #tpu.memory_space<vmem>> -> memref<1x256x64xf32, #tpu.memory_space<vmem>>
      %dma_start3A_680 = tpu.memref_squeeze %dma_start3A_679 : memref<1x256x64xf32, #tpu.memory_space<vmem>> -> memref<256x64xf32, #tpu.memory_space<vmem>>
      %dma_start3A_681 = arith.constant 0 : i32
      %dma_start3A_682 = tpu.memref_slice %arg4[%select_n3A_657, %mul3A_675, %dma_start3A_681] : memref<200x4096x64xf32, #tpu.memory_space<hbm>> -> memref<1x256x64xf32, #tpu.memory_space<hbm>>
      %dma_start3A_683 = tpu.memref_squeeze %dma_start3A_682 : memref<1x256x64xf32, #tpu.memory_space<hbm>> -> memref<256x64xf32, #tpu.memory_space<hbm>>
      %dma_start3A_684 = arith.constant 0 : i32
      %dma_start3A_685 = tpu.memref_slice %arg4[%select_n3A_657, %mul3A_675, %dma_start3A_684] : memref<200x4096x64xf32, #tpu.memory_space<hbm>> -> memref<1x256x64xf32, #tpu.memory_space<hbm>>
      %dma_start3A_686 = tpu.memref_squeeze %dma_start3A_685 : memref<1x256x64xf32, #tpu.memory_space<hbm>> -> memref<256x64xf32, #tpu.memory_space<hbm>>
      %dma_start3A_687 = arith.constant 0 : i32
      %dma_start3A_688 = arith.constant 0 : i32
      %dma_start3A_689 = tpu.memref_slice %arg6[%dma_start3A_676, %dma_start3A_687, %dma_start3A_688] : memref<4x256x64xf32, #tpu.memory_space<vmem>> -> memref<1x256x64xf32, #tpu.memory_space<vmem>>
      %dma_start3A_690 = tpu.memref_squeeze %dma_start3A_689 : memref<1x256x64xf32, #tpu.memory_space<vmem>> -> memref<256x64xf32, #tpu.memory_space<vmem>>
      tpu.enqueue_dma source(%dma_start3A_690 : memref<256x64xf32, #tpu.memory_space<vmem>>) target(%dma_start3A_686 : memref<256x64xf32, #tpu.memory_space<hbm>>) target_semaphore(%arg11 : memref<!tpu.dma_semaphore, #tpu.memory_space<semaphore_mem>>)
      %dma_wait3A_691 = arith.constant 2 : i32
      %dma_wait3A_692 = arith.constant 0 : i32
      %dma_wait3A_693 = arith.constant 0 : i32
      %dma_wait3A_694 = arith.constant 0 : i32
      %dma_wait3A_695 = tpu.memref_slice %arg6[%dma_wait3A_691, %dma_wait3A_693, %dma_wait3A_694] : memref<4x256x64xf32, #tpu.memory_space<vmem>> -> memref<1x256x64xf32, #tpu.memory_space<vmem>>
      %dma_wait3A_696 = tpu.memref_squeeze %dma_wait3A_695 : memref<1x256x64xf32, #tpu.memory_space<vmem>> -> memref<256x64xf32, #tpu.memory_space<vmem>>
      %dma_wait3A_697 = arith.constant 0 : i32
      %dma_wait3A_698 = arith.constant 0 : i32
      %dma_wait3A_699 = tpu.memref_slice %arg4[%dma_wait3A_692, %dma_wait3A_697, %dma_wait3A_698] : memref<200x4096x64xf32, #tpu.memory_space<hbm>> -> memref<1x256x64xf32, #tpu.memory_space<hbm>>
      %dma_wait3A_700 = tpu.memref_squeeze %dma_wait3A_699 : memref<1x256x64xf32, #tpu.memory_space<hbm>> -> memref<256x64xf32, #tpu.memory_space<hbm>>
      %dma_wait3A_701 = arith.constant 0 : i32
      %dma_wait3A_702 = arith.constant 0 : i32
      %dma_wait3A_703 = tpu.memref_slice %arg4[%dma_wait3A_692, %dma_wait3A_701, %dma_wait3A_702] : memref<200x4096x64xf32, #tpu.memory_space<hbm>> -> memref<1x256x64xf32, #tpu.memory_space<hbm>>
      %dma_wait3A_704 = tpu.memref_squeeze %dma_wait3A_703 : memref<1x256x64xf32, #tpu.memory_space<hbm>> -> memref<256x64xf32, #tpu.memory_space<hbm>>
      %dma_wait3A_705 = arith.constant 0 : i32
      %dma_wait3A_706 = arith.constant 0 : i32
      %dma_wait3A_707 = tpu.memref_slice %arg6[%dma_wait3A_691, %dma_wait3A_705, %dma_wait3A_706] : memref<4x256x64xf32, #tpu.memory_space<vmem>> -> memref<1x256x64xf32, #tpu.memory_space<vmem>>
      %dma_wait3A_708 = tpu.memref_squeeze %dma_wait3A_707 : memref<1x256x64xf32, #tpu.memory_space<vmem>> -> memref<256x64xf32, #tpu.memory_space<vmem>>
      tpu.wait_dma2 semaphore(%arg13 : memref<!tpu.dma_semaphore, #tpu.memory_space<semaphore_mem>>) src(%dma_wait3A_708 : memref<256x64xf32, #tpu.memory_space<vmem>>) dst(%dma_wait3A_704 : memref<256x64xf32, #tpu.memory_space<hbm>>)
      %add3A_709 = arith.constant 2 : i32
      %add3A_710 = arith.addi %add3A_620, %add3A_709 : i32
      %dma_start3A_711 = arith.constant 2 : i32
      %dma_start3A_712 = arith.constant 0 : i32
      %dma_start3A_713 = arith.constant 0 : i32
      %dma_start3A_714 = tpu.memref_slice %arg6[%dma_start3A_711, %dma_start3A_712, %dma_start3A_713] : memref<4x256x64xf32, #tpu.memory_space<vmem>> -> memref<1x256x64xf32, #tpu.memory_space<vmem>>
      %dma_start3A_715 = tpu.memref_squeeze %dma_start3A_714 : memref<1x256x64xf32, #tpu.memory_space<vmem>> -> memref<256x64xf32, #tpu.memory_space<vmem>>
      %dma_start3A_716 = arith.constant 0 : i32
      %dma_start3A_717 = tpu.memref_slice %arg5[%add3A_710, %dma_start3A_716] : memref<100x256xi32, #tpu.memory_space<vmem>> -> memref<1x256xi32, #tpu.memory_space<vmem>>
      %dma_start3A_718 = tpu.memref_squeeze %dma_start3A_717 : memref<1x256xi32, #tpu.memory_space<vmem>> -> memref<256xi32, #tpu.memory_space<vmem>>
      %dma_start3A_719 = arith.constant 0 : i32
      %dma_start3A_720 = arith.constant 0 : i32
      %dma_start3A_721 = tpu.memref_slice %arg3[%dma_start3A_719, %dma_start3A_720] : memref<1000000x64xf32, #tpu.memory_space<hbm>> -> memref<1000000x64xf32, #tpu.memory_space<hbm>>
      tpu.enqueue_indirect_dma source(%dma_start3A_721 : memref<1000000x64xf32, #tpu.memory_space<hbm>>) target(%dma_start3A_715 : memref<256x64xf32, #tpu.memory_space<vmem>>) offsets(%dma_start3A_718 : memref<256xi32, #tpu.memory_space<vmem>>) semaphore(%arg9 : memref<!tpu.dma_semaphore, #tpu.memory_space<semaphore_mem>>)
      %mul3A_722 = arith.constant 4 : i32
      %mul3A_723 = arith.muli %scan3A_400, %mul3A_722 : i32
      %add3A_724 = arith.constant 2 : i32
      %add3A_725 = arith.addi %add3A_724, %mul3A_723 : i32
      %add3A_726 = arith.constant 3 : i32
      %add3A_727 = arith.addi %add3A_725, %add3A_726 : i32
      %dma_wait3A_728 = arith.constant 0 : i32
      %dma_wait3A_729 = arith.constant 1 : i32
      %dma_wait3A_730 = arith.constant 0 : i32
      %dma_wait3A_731 = arith.constant 0 : i32
      %dma_wait3A_732 = tpu.memref_slice %arg6[%dma_wait3A_729, %dma_wait3A_730, %dma_wait3A_731] : memref<4x256x64xf32, #tpu.memory_space<vmem>> -> memref<1x256x64xf32, #tpu.memory_space<vmem>>
      %dma_wait3A_733 = tpu.memref_squeeze %dma_wait3A_732 : memref<1x256x64xf32, #tpu.memory_space<vmem>> -> memref<256x64xf32, #tpu.memory_space<vmem>>
      %dma_wait3A_734 = arith.constant 0 : i32
      %dma_wait3A_735 = tpu.memref_slice %arg5[%dma_wait3A_728, %dma_wait3A_734] : memref<100x256xi32, #tpu.memory_space<vmem>> -> memref<1x256xi32, #tpu.memory_space<vmem>>
      %dma_wait3A_736 = tpu.memref_squeeze %dma_wait3A_735 : memref<1x256xi32, #tpu.memory_space<vmem>> -> memref<256xi32, #tpu.memory_space<vmem>>
      %dma_wait3A_737 = arith.constant 0 : i32
      %dma_wait3A_738 = arith.constant 0 : i32
      %dma_wait3A_739 = tpu.memref_slice %arg3[%dma_wait3A_737, %dma_wait3A_738] : memref<1000000x64xf32, #tpu.memory_space<hbm>> -> memref<1000000x64xf32, #tpu.memory_space<hbm>>
      tpu.wait_indirect_dma semaphore(%arg8 : memref<!tpu.dma_semaphore, #tpu.memory_space<semaphore_mem>>) src(%dma_wait3A_739 : memref<1000000x64xf32, #tpu.memory_space<hbm>>) dst(%dma_wait3A_733 : memref<256x64xf32, #tpu.memory_space<vmem>>)
      %add3A_740 = arith.addi %mul3A_2, %add3A_727 : i32
      %jit3A_741 = arith.constant 16 : i32
      %div3A_742 = arith.divsi %add3A_740, %jit3A_741 : i32
      %sign3A_743 = arith.constant 0 : i32
      %sign3A_744 = arith.cmpi sgt, %add3A_740, %sign3A_743 : i32
      %sign3A_745 = arith.extui %sign3A_744 : i1 to i32
      %sign3A_746 = arith.constant 0 : i32
      %sign3A_747 = arith.cmpi slt, %add3A_740, %sign3A_746 : i32
      %sign3A_748 = arith.extui %sign3A_747 : i1 to i32
      %sign3A_749 = arith.subi %sign3A_745, %sign3A_748 : i32
      %sign3A_750 = arith.constant 0 : i32
      %sign3A_751 = arith.cmpi sgt, %jit3A_741, %sign3A_750 : i32
      %sign3A_752 = arith.extui %sign3A_751 : i1 to i32
      %sign3A_753 = arith.constant 0 : i32
      %sign3A_754 = arith.cmpi slt, %jit3A_741, %sign3A_753 : i32
      %sign3A_755 = arith.extui %sign3A_754 : i1 to i32
      %sign3A_756 = arith.subi %sign3A_752, %sign3A_755 : i32
      %ne3A_757 = arith.cmpi ne, %sign3A_749, %sign3A_756 : i32
      %rem3A_758 = arith.remsi %add3A_740, %jit3A_741 : i32
      %ne3A_759 = arith.constant 0 : i32
      %ne3A_760 = arith.cmpi ne, %rem3A_758, %ne3A_759 : i32
      %and3A_761 = arith.andi %ne3A_757, %ne3A_760 : i1
      %sub3A_762 = arith.constant 1 : i32
      %sub3A_763 = arith.subi %div3A_742, %sub3A_762 : i32
      %select_n3A_764 = arith.select %and3A_761, %sub3A_763, %div3A_742 : i32
      %jit3A_765 = arith.constant 16 : i32
      %eq3A_766 = arith.constant 0 : i32
      %eq3A_767 = arith.cmpi eq, %jit3A_765, %eq3A_766 : i32
      %jit3A_768 = arith.constant 1 : i32
      %select_n3A_769 = arith.select %eq3A_767, %jit3A_768, %jit3A_765 : i32
      %rem3A_770 = arith.remsi %add3A_740, %select_n3A_769 : i32
      %ne3A_771 = arith.constant 0 : i32
      %ne3A_772 = arith.cmpi ne, %rem3A_770, %ne3A_771 : i32
      %lt3A_773 = arith.constant 0 : i32
      %lt3A_774 = arith.cmpi slt, %rem3A_770, %lt3A_773 : i32
      %lt3A_775 = arith.constant 0 : i32
      %lt3A_776 = arith.cmpi slt, %select_n3A_769, %lt3A_775 : i32
      %ne3A_777 = arith.xori %lt3A_774, %lt3A_776 : i1
      %and3A_778 = arith.andi %ne3A_777, %ne3A_772 : i1
      %add3A_779 = arith.addi %rem3A_770, %select_n3A_769 : i32
      %select_n3A_780 = arith.select %and3A_778, %add3A_779, %rem3A_770 : i32
      %mul3A_781 = arith.constant 256 : i32
      %mul3A_782 = arith.muli %select_n3A_780, %mul3A_781 : i32
      %dma_start3A_783 = arith.constant 1 : i32
      %dma_start3A_784 = arith.constant 0 : i32
      %dma_start3A_785 = arith.constant 0 : i32
      %dma_start3A_786 = tpu.memref_slice %arg6[%dma_start3A_783, %dma_start3A_784, %dma_start3A_785] : memref<4x256x64xf32, #tpu.memory_space<vmem>> -> memref<1x256x64xf32, #tpu.memory_space<vmem>>
      %dma_start3A_787 = tpu.memref_squeeze %dma_start3A_786 : memref<1x256x64xf32, #tpu.memory_space<vmem>> -> memref<256x64xf32, #tpu.memory_space<vmem>>
      %dma_start3A_788 = arith.constant 0 : i32
      %dma_start3A_789 = tpu.memref_slice %arg4[%select_n3A_764, %mul3A_782, %dma_start3A_788] : memref<200x4096x64xf32, #tpu.memory_space<hbm>> -> memref<1x256x64xf32, #tpu.memory_space<hbm>>
      %dma_start3A_790 = tpu.memref_squeeze %dma_start3A_789 : memref<1x256x64xf32, #tpu.memory_space<hbm>> -> memref<256x64xf32, #tpu.memory_space<hbm>>
      %dma_start3A_791 = arith.constant 0 : i32
      %dma_start3A_792 = tpu.memref_slice %arg4[%select_n3A_764, %mul3A_782, %dma_start3A_791] : memref<200x4096x64xf32, #tpu.memory_space<hbm>> -> memref<1x256x64xf32, #tpu.memory_space<hbm>>
      %dma_start3A_793 = tpu.memref_squeeze %dma_start3A_792 : memref<1x256x64xf32, #tpu.memory_space<hbm>> -> memref<256x64xf32, #tpu.memory_space<hbm>>
      %dma_start3A_794 = arith.constant 0 : i32
      %dma_start3A_795 = arith.constant 0 : i32
      %dma_start3A_796 = tpu.memref_slice %arg6[%dma_start3A_783, %dma_start3A_794, %dma_start3A_795] : memref<4x256x64xf32, #tpu.memory_space<vmem>> -> memref<1x256x64xf32, #tpu.memory_space<vmem>>
      %dma_start3A_797 = tpu.memref_squeeze %dma_start3A_796 : memref<1x256x64xf32, #tpu.memory_space<vmem>> -> memref<256x64xf32, #tpu.memory_space<vmem>>
      tpu.enqueue_dma source(%dma_start3A_797 : memref<256x64xf32, #tpu.memory_space<vmem>>) target(%dma_start3A_793 : memref<256x64xf32, #tpu.memory_space<hbm>>) target_semaphore(%arg12 : memref<!tpu.dma_semaphore, #tpu.memory_space<semaphore_mem>>)
      %dma_wait3A_798 = arith.constant 3 : i32
      %dma_wait3A_799 = arith.constant 0 : i32
      %dma_wait3A_800 = arith.constant 0 : i32
      %dma_wait3A_801 = arith.constant 0 : i32
      %dma_wait3A_802 = tpu.memref_slice %arg6[%dma_wait3A_798, %dma_wait3A_800, %dma_wait3A_801] : memref<4x256x64xf32, #tpu.memory_space<vmem>> -> memref<1x256x64xf32, #tpu.memory_space<vmem>>
      %dma_wait3A_803 = tpu.memref_squeeze %dma_wait3A_802 : memref<1x256x64xf32, #tpu.memory_space<vmem>> -> memref<256x64xf32, #tpu.memory_space<vmem>>
      %dma_wait3A_804 = arith.constant 0 : i32
      %dma_wait3A_805 = arith.constant 0 : i32
      %dma_wait3A_806 = tpu.memref_slice %arg4[%dma_wait3A_799, %dma_wait3A_804, %dma_wait3A_805] : memref<200x4096x64xf32, #tpu.memory_space<hbm>> -> memref<1x256x64xf32, #tpu.memory_space<hbm>>
      %dma_wait3A_807 = tpu.memref_squeeze %dma_wait3A_806 : memref<1x256x64xf32, #tpu.memory_space<hbm>> -> memref<256x64xf32, #tpu.memory_space<hbm>>
      %dma_wait3A_808 = arith.constant 0 : i32
      %dma_wait3A_809 = arith.constant 0 : i32
      %dma_wait3A_810 = tpu.memref_slice %arg4[%dma_wait3A_799, %dma_wait3A_808, %dma_wait3A_809] : memref<200x4096x64xf32, #tpu.memory_space<hbm>> -> memref<1x256x64xf32, #tpu.memory_space<hbm>>
      %dma_wait3A_811 = tpu.memref_squeeze %dma_wait3A_810 : memref<1x256x64xf32, #tpu.memory_space<hbm>> -> memref<256x64xf32, #tpu.memory_space<hbm>>
      %dma_wait3A_812 = arith.constant 0 : i32
      %dma_wait3A_813 = arith.constant 0 : i32
      %dma_wait3A_814 = tpu.memref_slice %arg6[%dma_wait3A_798, %dma_wait3A_812, %dma_wait3A_813] : memref<4x256x64xf32, #tpu.memory_space<vmem>> -> memref<1x256x64xf32, #tpu.memory_space<vmem>>
      %dma_wait3A_815 = tpu.memref_squeeze %dma_wait3A_814 : memref<1x256x64xf32, #tpu.memory_space<vmem>> -> memref<256x64xf32, #tpu.memory_space<vmem>>
      tpu.wait_dma2 semaphore(%arg14 : memref<!tpu.dma_semaphore, #tpu.memory_space<semaphore_mem>>) src(%dma_wait3A_815 : memref<256x64xf32, #tpu.memory_space<vmem>>) dst(%dma_wait3A_811 : memref<256x64xf32, #tpu.memory_space<hbm>>)
      %add3A_816 = arith.constant 2 : i32
      %add3A_817 = arith.addi %add3A_727, %add3A_816 : i32
      %dma_start3A_818 = arith.constant 3 : i32
      %dma_start3A_819 = arith.constant 0 : i32
      %dma_start3A_820 = arith.constant 0 : i32
      %dma_start3A_821 = tpu.memref_slice %arg6[%dma_start3A_818, %dma_start3A_819, %dma_start3A_820] : memref<4x256x64xf32, #tpu.memory_space<vmem>> -> memref<1x256x64xf32, #tpu.memory_space<vmem>>
      %dma_start3A_822 = tpu.memref_squeeze %dma_start3A_821 : memref<1x256x64xf32, #tpu.memory_space<vmem>> -> memref<256x64xf32, #tpu.memory_space<vmem>>
      %dma_start3A_823 = arith.constant 0 : i32
      %dma_start3A_824 = tpu.memref_slice %arg5[%add3A_817, %dma_start3A_823] : memref<100x256xi32, #tpu.memory_space<vmem>> -> memref<1x256xi32, #tpu.memory_space<vmem>>
      %dma_start3A_825 = tpu.memref_squeeze %dma_start3A_824 : memref<1x256xi32, #tpu.memory_space<vmem>> -> memref<256xi32, #tpu.memory_space<vmem>>
      %dma_start3A_826 = arith.constant 0 : i32
      %dma_start3A_827 = arith.constant 0 : i32
      %dma_start3A_828 = tpu.memref_slice %arg3[%dma_start3A_826, %dma_start3A_827] : memref<1000000x64xf32, #tpu.memory_space<hbm>> -> memref<1000000x64xf32, #tpu.memory_space<hbm>>
      tpu.enqueue_indirect_dma source(%dma_start3A_828 : memref<1000000x64xf32, #tpu.memory_space<hbm>>) target(%dma_start3A_822 : memref<256x64xf32, #tpu.memory_space<vmem>>) offsets(%dma_start3A_825 : memref<256xi32, #tpu.memory_space<vmem>>) semaphore(%arg10 : memref<!tpu.dma_semaphore, #tpu.memory_space<semaphore_mem>>)
    }
    %scan3A_185 = arith.constant 24 : i32
    %dma_wait3A_186 = arith.constant 0 : i32
    %dma_wait3A_187 = arith.constant 2 : i32
    %dma_wait3A_188 = arith.constant 0 : i32
    %dma_wait3A_189 = arith.constant 0 : i32
    %dma_wait3A_190 = tpu.memref_slice %arg6[%dma_wait3A_187, %dma_wait3A_188, %dma_wait3A_189] : memref<4x256x64xf32, #tpu.memory_space<vmem>> -> memref<1x256x64xf32, #tpu.memory_space<vmem>>
    %dma_wait3A_191 = tpu.memref_squeeze %dma_wait3A_190 : memref<1x256x64xf32, #tpu.memory_space<vmem>> -> memref<256x64xf32, #tpu.memory_space<vmem>>
    %dma_wait3A_192 = arith.constant 0 : i32
    %dma_wait3A_193 = tpu.memref_slice %arg5[%dma_wait3A_186, %dma_wait3A_192] : memref<100x256xi32, #tpu.memory_space<vmem>> -> memref<1x256xi32, #tpu.memory_space<vmem>>
    %dma_wait3A_194 = tpu.memref_squeeze %dma_wait3A_193 : memref<1x256xi32, #tpu.memory_space<vmem>> -> memref<256xi32, #tpu.memory_space<vmem>>
    %dma_wait3A_195 = arith.constant 0 : i32
    %dma_wait3A_196 = arith.constant 0 : i32
    %dma_wait3A_197 = tpu.memref_slice %arg3[%dma_wait3A_195, %dma_wait3A_196] : memref<1000000x64xf32, #tpu.memory_space<hbm>> -> memref<1000000x64xf32, #tpu.memory_space<hbm>>
    tpu.wait_indirect_dma semaphore(%arg9 : memref<!tpu.dma_semaphore, #tpu.memory_space<semaphore_mem>>) src(%dma_wait3A_197 : memref<1000000x64xf32, #tpu.memory_space<hbm>>) dst(%dma_wait3A_191 : memref<256x64xf32, #tpu.memory_space<vmem>>)
    %add3A_198 = arith.constant 98 : i32
    %add3A_199 = arith.addi %mul3A_2, %add3A_198 : i32
    %jit3A_200 = arith.constant 16 : i32
    %div3A_201 = arith.divsi %add3A_199, %jit3A_200 : i32
    %sign3A_202 = arith.constant 0 : i32
    %sign3A_203 = arith.cmpi sgt, %add3A_199, %sign3A_202 : i32
    %sign3A_204 = arith.extui %sign3A_203 : i1 to i32
    %sign3A_205 = arith.constant 0 : i32
    %sign3A_206 = arith.cmpi slt, %add3A_199, %sign3A_205 : i32
    %sign3A_207 = arith.extui %sign3A_206 : i1 to i32
    %sign3A_208 = arith.subi %sign3A_204, %sign3A_207 : i32
    %sign3A_209 = arith.constant 0 : i32
    %sign3A_210 = arith.cmpi sgt, %jit3A_200, %sign3A_209 : i32
    %sign3A_211 = arith.extui %sign3A_210 : i1 to i32
    %sign3A_212 = arith.constant 0 : i32
    %sign3A_213 = arith.cmpi slt, %jit3A_200, %sign3A_212 : i32
    %sign3A_214 = arith.extui %sign3A_213 : i1 to i32
    %sign3A_215 = arith.subi %sign3A_211, %sign3A_214 : i32
    %ne3A_216 = arith.cmpi ne, %sign3A_208, %sign3A_215 : i32
    %rem3A_217 = arith.remsi %add3A_199, %jit3A_200 : i32
    %ne3A_218 = arith.constant 0 : i32
    %ne3A_219 = arith.cmpi ne, %rem3A_217, %ne3A_218 : i32
    %and3A_220 = arith.andi %ne3A_216, %ne3A_219 : i1
    %sub3A_221 = arith.constant 1 : i32
    %sub3A_222 = arith.subi %div3A_201, %sub3A_221 : i32
    %select_n3A_223 = arith.select %and3A_220, %sub3A_222, %div3A_201 : i32
    %jit3A_224 = arith.constant 16 : i32
    %eq3A_225 = arith.constant 0 : i32
    %eq3A_226 = arith.cmpi eq, %jit3A_224, %eq3A_225 : i32
    %jit3A_227 = arith.constant 1 : i32
    %select_n3A_228 = arith.select %eq3A_226, %jit3A_227, %jit3A_224 : i32
    %rem3A_229 = arith.remsi %add3A_199, %select_n3A_228 : i32
    %ne3A_230 = arith.constant 0 : i32
    %ne3A_231 = arith.cmpi ne, %rem3A_229, %ne3A_230 : i32
    %lt3A_232 = arith.constant 0 : i32
    %lt3A_233 = arith.cmpi slt, %rem3A_229, %lt3A_232 : i32
    %lt3A_234 = arith.constant 0 : i32
    %lt3A_235 = arith.cmpi slt, %select_n3A_228, %lt3A_234 : i32
    %ne3A_236 = arith.xori %lt3A_233, %lt3A_235 : i1
    %and3A_237 = arith.andi %ne3A_236, %ne3A_231 : i1
    %add3A_238 = arith.addi %rem3A_229, %select_n3A_228 : i32
    %select_n3A_239 = arith.select %and3A_237, %add3A_238, %rem3A_229 : i32
    %mul3A_240 = arith.constant 256 : i32
    %mul3A_241 = arith.muli %select_n3A_239, %mul3A_240 : i32
    %dma_start3A_242 = arith.constant 2 : i32
    %dma_start3A_243 = arith.constant 0 : i32
    %dma_start3A_244 = arith.constant 0 : i32
    %dma_start3A_245 = tpu.memref_slice %arg6[%dma_start3A_242, %dma_start3A_243, %dma_start3A_244] : memref<4x256x64xf32, #tpu.memory_space<vmem>> -> memref<1x256x64xf32, #tpu.memory_space<vmem>>
    %dma_start3A_246 = tpu.memref_squeeze %dma_start3A_245 : memref<1x256x64xf32, #tpu.memory_space<vmem>> -> memref<256x64xf32, #tpu.memory_space<vmem>>
    %dma_start3A_247 = arith.constant 0 : i32
    %dma_start3A_248 = tpu.memref_slice %arg4[%select_n3A_223, %mul3A_241, %dma_start3A_247] : memref<200x4096x64xf32, #tpu.memory_space<hbm>> -> memref<1x256x64xf32, #tpu.memory_space<hbm>>
    %dma_start3A_249 = tpu.memref_squeeze %dma_start3A_248 : memref<1x256x64xf32, #tpu.memory_space<hbm>> -> memref<256x64xf32, #tpu.memory_space<hbm>>
    %dma_start3A_250 = arith.constant 0 : i32
    %dma_start3A_251 = tpu.memref_slice %arg4[%select_n3A_223, %mul3A_241, %dma_start3A_250] : memref<200x4096x64xf32, #tpu.memory_space<hbm>> -> memref<1x256x64xf32, #tpu.memory_space<hbm>>
    %dma_start3A_252 = tpu.memref_squeeze %dma_start3A_251 : memref<1x256x64xf32, #tpu.memory_space<hbm>> -> memref<256x64xf32, #tpu.memory_space<hbm>>
    %dma_start3A_253 = arith.constant 0 : i32
    %dma_start3A_254 = arith.constant 0 : i32
    %dma_start3A_255 = tpu.memref_slice %arg6[%dma_start3A_242, %dma_start3A_253, %dma_start3A_254] : memref<4x256x64xf32, #tpu.memory_space<vmem>> -> memref<1x256x64xf32, #tpu.memory_space<vmem>>
    %dma_start3A_256 = tpu.memref_squeeze %dma_start3A_255 : memref<1x256x64xf32, #tpu.memory_space<vmem>> -> memref<256x64xf32, #tpu.memory_space<vmem>>
    tpu.enqueue_dma source(%dma_start3A_256 : memref<256x64xf32, #tpu.memory_space<vmem>>) target(%dma_start3A_252 : memref<256x64xf32, #tpu.memory_space<hbm>>) target_semaphore(%arg13 : memref<!tpu.dma_semaphore, #tpu.memory_space<semaphore_mem>>)
    %dma_wait3A_257 = arith.constant 0 : i32
    %dma_wait3A_258 = arith.constant 3 : i32
    %dma_wait3A_259 = arith.constant 0 : i32
    %dma_wait3A_260 = arith.constant 0 : i32
    %dma_wait3A_261 = tpu.memref_slice %arg6[%dma_wait3A_258, %dma_wait3A_259, %dma_wait3A_260] : memref<4x256x64xf32, #tpu.memory_space<vmem>> -> memref<1x256x64xf32, #tpu.memory_space<vmem>>
    %dma_wait3A_262 = tpu.memref_squeeze %dma_wait3A_261 : memref<1x256x64xf32, #tpu.memory_space<vmem>> -> memref<256x64xf32, #tpu.memory_space<vmem>>
    %dma_wait3A_263 = arith.constant 0 : i32
    %dma_wait3A_264 = tpu.memref_slice %arg5[%dma_wait3A_257, %dma_wait3A_263] : memref<100x256xi32, #tpu.memory_space<vmem>> -> memref<1x256xi32, #tpu.memory_space<vmem>>
    %dma_wait3A_265 = tpu.memref_squeeze %dma_wait3A_264 : memref<1x256xi32, #tpu.memory_space<vmem>> -> memref<256xi32, #tpu.memory_space<vmem>>
    %dma_wait3A_266 = arith.constant 0 : i32
    %dma_wait3A_267 = arith.constant 0 : i32
    %dma_wait3A_268 = tpu.memref_slice %arg3[%dma_wait3A_266, %dma_wait3A_267] : memref<1000000x64xf32, #tpu.memory_space<hbm>> -> memref<1000000x64xf32, #tpu.memory_space<hbm>>
    tpu.wait_indirect_dma semaphore(%arg10 : memref<!tpu.dma_semaphore, #tpu.memory_space<semaphore_mem>>) src(%dma_wait3A_268 : memref<1000000x64xf32, #tpu.memory_space<hbm>>) dst(%dma_wait3A_262 : memref<256x64xf32, #tpu.memory_space<vmem>>)
    %add3A_269 = arith.constant 99 : i32
    %add3A_270 = arith.addi %mul3A_2, %add3A_269 : i32
    %jit3A_271 = arith.constant 16 : i32
    %div3A_272 = arith.divsi %add3A_270, %jit3A_271 : i32
    %sign3A_273 = arith.constant 0 : i32
    %sign3A_274 = arith.cmpi sgt, %add3A_270, %sign3A_273 : i32
    %sign3A_275 = arith.extui %sign3A_274 : i1 to i32
    %sign3A_276 = arith.constant 0 : i32
    %sign3A_277 = arith.cmpi slt, %add3A_270, %sign3A_276 : i32
    %sign3A_278 = arith.extui %sign3A_277 : i1 to i32
    %sign3A_279 = arith.subi %sign3A_275, %sign3A_278 : i32
    %sign3A_280 = arith.constant 0 : i32
    %sign3A_281 = arith.cmpi sgt, %jit3A_271, %sign3A_280 : i32
    %sign3A_282 = arith.extui %sign3A_281 : i1 to i32
    %sign3A_283 = arith.constant 0 : i32
    %sign3A_284 = arith.cmpi slt, %jit3A_271, %sign3A_283 : i32
    %sign3A_285 = arith.extui %sign3A_284 : i1 to i32
    %sign3A_286 = arith.subi %sign3A_282, %sign3A_285 : i32
    %ne3A_287 = arith.cmpi ne, %sign3A_279, %sign3A_286 : i32
    %rem3A_288 = arith.remsi %add3A_270, %jit3A_271 : i32
    %ne3A_289 = arith.constant 0 : i32
    %ne3A_290 = arith.cmpi ne, %rem3A_288, %ne3A_289 : i32
    %and3A_291 = arith.andi %ne3A_287, %ne3A_290 : i1
    %sub3A_292 = arith.constant 1 : i32
    %sub3A_293 = arith.subi %div3A_272, %sub3A_292 : i32
    %select_n3A_294 = arith.select %and3A_291, %sub3A_293, %div3A_272 : i32
    %jit3A_295 = arith.constant 16 : i32
    %eq3A_296 = arith.constant 0 : i32
    %eq3A_297 = arith.cmpi eq, %jit3A_295, %eq3A_296 : i32
    %jit3A_298 = arith.constant 1 : i32
    %select_n3A_299 = arith.select %eq3A_297, %jit3A_298, %jit3A_295 : i32
    %rem3A_300 = arith.remsi %add3A_270, %select_n3A_299 : i32
    %ne3A_301 = arith.constant 0 : i32
    %ne3A_302 = arith.cmpi ne, %rem3A_300, %ne3A_301 : i32
    %lt3A_303 = arith.constant 0 : i32
    %lt3A_304 = arith.cmpi slt, %rem3A_300, %lt3A_303 : i32
    %lt3A_305 = arith.constant 0 : i32
    %lt3A_306 = arith.cmpi slt, %select_n3A_299, %lt3A_305 : i32
    %ne3A_307 = arith.xori %lt3A_304, %lt3A_306 : i1
    %and3A_308 = arith.andi %ne3A_307, %ne3A_302 : i1
    %add3A_309 = arith.addi %rem3A_300, %select_n3A_299 : i32
    %select_n3A_310 = arith.select %and3A_308, %add3A_309, %rem3A_300 : i32
    %mul3A_311 = arith.constant 256 : i32
    %mul3A_312 = arith.muli %select_n3A_310, %mul3A_311 : i32
    %dma_start3A_313 = arith.constant 3 : i32
    %dma_start3A_314 = arith.constant 0 : i32
    %dma_start3A_315 = arith.constant 0 : i32
    %dma_start3A_316 = tpu.memref_slice %arg6[%dma_start3A_313, %dma_start3A_314, %dma_start3A_315] : memref<4x256x64xf32, #tpu.memory_space<vmem>> -> memref<1x256x64xf32, #tpu.memory_space<vmem>>
    %dma_start3A_317 = tpu.memref_squeeze %dma_start3A_316 : memref<1x256x64xf32, #tpu.memory_space<vmem>> -> memref<256x64xf32, #tpu.memory_space<vmem>>
    %dma_start3A_318 = arith.constant 0 : i32
    %dma_start3A_319 = tpu.memref_slice %arg4[%select_n3A_294, %mul3A_312, %dma_start3A_318] : memref<200x4096x64xf32, #tpu.memory_space<hbm>> -> memref<1x256x64xf32, #tpu.memory_space<hbm>>
    %dma_start3A_320 = tpu.memref_squeeze %dma_start3A_319 : memref<1x256x64xf32, #tpu.memory_space<hbm>> -> memref<256x64xf32, #tpu.memory_space<hbm>>
    %dma_start3A_321 = arith.constant 0 : i32
    %dma_start3A_322 = tpu.memref_slice %arg4[%select_n3A_294, %mul3A_312, %dma_start3A_321] : memref<200x4096x64xf32, #tpu.memory_space<hbm>> -> memref<1x256x64xf32, #tpu.memory_space<hbm>>
    %dma_start3A_323 = tpu.memref_squeeze %dma_start3A_322 : memref<1x256x64xf32, #tpu.memory_space<hbm>> -> memref<256x64xf32, #tpu.memory_space<hbm>>
    %dma_start3A_324 = arith.constant 0 : i32
    %dma_start3A_325 = arith.constant 0 : i32
    %dma_start3A_326 = tpu.memref_slice %arg6[%dma_start3A_313, %dma_start3A_324, %dma_start3A_325] : memref<4x256x64xf32, #tpu.memory_space<vmem>> -> memref<1x256x64xf32, #tpu.memory_space<vmem>>
    %dma_start3A_327 = tpu.memref_squeeze %dma_start3A_326 : memref<1x256x64xf32, #tpu.memory_space<vmem>> -> memref<256x64xf32, #tpu.memory_space<vmem>>
    tpu.enqueue_dma source(%dma_start3A_327 : memref<256x64xf32, #tpu.memory_space<vmem>>) target(%dma_start3A_323 : memref<256x64xf32, #tpu.memory_space<hbm>>) target_semaphore(%arg14 : memref<!tpu.dma_semaphore, #tpu.memory_space<semaphore_mem>>)
    %dma_wait3A_328 = arith.constant 0 : i32
    %dma_wait3A_329 = arith.constant 0 : i32
    %dma_wait3A_330 = arith.constant 0 : i32
    %dma_wait3A_331 = arith.constant 0 : i32
    %dma_wait3A_332 = tpu.memref_slice %arg6[%dma_wait3A_328, %dma_wait3A_330, %dma_wait3A_331] : memref<4x256x64xf32, #tpu.memory_space<vmem>> -> memref<1x256x64xf32, #tpu.memory_space<vmem>>
    %dma_wait3A_333 = tpu.memref_squeeze %dma_wait3A_332 : memref<1x256x64xf32, #tpu.memory_space<vmem>> -> memref<256x64xf32, #tpu.memory_space<vmem>>
    %dma_wait3A_334 = arith.constant 0 : i32
    %dma_wait3A_335 = arith.constant 0 : i32
    %dma_wait3A_336 = tpu.memref_slice %arg4[%dma_wait3A_329, %dma_wait3A_334, %dma_wait3A_335] : memref<200x4096x64xf32, #tpu.memory_space<hbm>> -> memref<1x256x64xf32, #tpu.memory_space<hbm>>
    %dma_wait3A_337 = tpu.memref_squeeze %dma_wait3A_336 : memref<1x256x64xf32, #tpu.memory_space<hbm>> -> memref<256x64xf32, #tpu.memory_space<hbm>>
    %dma_wait3A_338 = arith.constant 0 : i32
    %dma_wait3A_339 = arith.constant 0 : i32
    %dma_wait3A_340 = tpu.memref_slice %arg4[%dma_wait3A_329, %dma_wait3A_338, %dma_wait3A_339] : memref<200x4096x64xf32, #tpu.memory_space<hbm>> -> memref<1x256x64xf32, #tpu.memory_space<hbm>>
    %dma_wait3A_341 = tpu.memref_squeeze %dma_wait3A_340 : memref<1x256x64xf32, #tpu.memory_space<hbm>> -> memref<256x64xf32, #tpu.memory_space<hbm>>
    %dma_wait3A_342 = arith.constant 0 : i32
    %dma_wait3A_343 = arith.constant 0 : i32
    %dma_wait3A_344 = tpu.memref_slice %arg6[%dma_wait3A_328, %dma_wait3A_342, %dma_wait3A_343] : memref<4x256x64xf32, #tpu.memory_space<vmem>> -> memref<1x256x64xf32, #tpu.memory_space<vmem>>
    %dma_wait3A_345 = tpu.memref_squeeze %dma_wait3A_344 : memref<1x256x64xf32, #tpu.memory_space<vmem>> -> memref<256x64xf32, #tpu.memory_space<vmem>>
    tpu.wait_dma2 semaphore(%arg11 : memref<!tpu.dma_semaphore, #tpu.memory_space<semaphore_mem>>) src(%dma_wait3A_345 : memref<256x64xf32, #tpu.memory_space<vmem>>) dst(%dma_wait3A_341 : memref<256x64xf32, #tpu.memory_space<hbm>>)
    %dma_wait3A_346 = arith.constant 1 : i32
    %dma_wait3A_347 = arith.constant 0 : i32
    %dma_wait3A_348 = arith.constant 0 : i32
    %dma_wait3A_349 = arith.constant 0 : i32
    %dma_wait3A_350 = tpu.memref_slice %arg6[%dma_wait3A_346, %dma_wait3A_348, %dma_wait3A_349] : memref<4x256x64xf32, #tpu.memory_space<vmem>> -> memref<1x256x64xf32, #tpu.memory_space<vmem>>
    %dma_wait3A_351 = tpu.memref_squeeze %dma_wait3A_350 : memref<1x256x64xf32, #tpu.memory_space<vmem>> -> memref<256x64xf32, #tpu.memory_space<vmem>>
    %dma_wait3A_352 = arith.constant 0 : i32
    %dma_wait3A_353 = arith.constant 0 : i32
    %dma_wait3A_354 = tpu.memref_slice %arg4[%dma_wait3A_347, %dma_wait3A_352, %dma_wait3A_353] : memref<200x4096x64xf32, #tpu.memory_space<hbm>> -> memref<1x256x64xf32, #tpu.memory_space<hbm>>
    %dma_wait3A_355 = tpu.memref_squeeze %dma_wait3A_354 : memref<1x256x64xf32, #tpu.memory_space<hbm>> -> memref<256x64xf32, #tpu.memory_space<hbm>>
    %dma_wait3A_356 = arith.constant 0 : i32
    %dma_wait3A_357 = arith.constant 0 : i32
    %dma_wait3A_358 = tpu.memref_slice %arg4[%dma_wait3A_347, %dma_wait3A_356, %dma_wait3A_357] : memref<200x4096x64xf32, #tpu.memory_space<hbm>> -> memref<1x256x64xf32, #tpu.memory_space<hbm>>
    %dma_wait3A_359 = tpu.memref_squeeze %dma_wait3A_358 : memref<1x256x64xf32, #tpu.memory_space<hbm>> -> memref<256x64xf32, #tpu.memory_space<hbm>>
    %dma_wait3A_360 = arith.constant 0 : i32
    %dma_wait3A_361 = arith.constant 0 : i32
    %dma_wait3A_362 = tpu.memref_slice %arg6[%dma_wait3A_346, %dma_wait3A_360, %dma_wait3A_361] : memref<4x256x64xf32, #tpu.memory_space<vmem>> -> memref<1x256x64xf32, #tpu.memory_space<vmem>>
    %dma_wait3A_363 = tpu.memref_squeeze %dma_wait3A_362 : memref<1x256x64xf32, #tpu.memory_space<vmem>> -> memref<256x64xf32, #tpu.memory_space<vmem>>
    tpu.wait_dma2 semaphore(%arg12 : memref<!tpu.dma_semaphore, #tpu.memory_space<semaphore_mem>>) src(%dma_wait3A_363 : memref<256x64xf32, #tpu.memory_space<vmem>>) dst(%dma_wait3A_359 : memref<256x64xf32, #tpu.memory_space<hbm>>)
    %dma_wait3A_364 = arith.constant 2 : i32
    %dma_wait3A_365 = arith.constant 0 : i32
    %dma_wait3A_366 = arith.constant 0 : i32
    %dma_wait3A_367 = arith.constant 0 : i32
    %dma_wait3A_368 = tpu.memref_slice %arg6[%dma_wait3A_364, %dma_wait3A_366, %dma_wait3A_367] : memref<4x256x64xf32, #tpu.memory_space<vmem>> -> memref<1x256x64xf32, #tpu.memory_space<vmem>>
    %dma_wait3A_369 = tpu.memref_squeeze %dma_wait3A_368 : memref<1x256x64xf32, #tpu.memory_space<vmem>> -> memref<256x64xf32, #tpu.memory_space<vmem>>
    %dma_wait3A_370 = arith.constant 0 : i32
    %dma_wait3A_371 = arith.constant 0 : i32
    %dma_wait3A_372 = tpu.memref_slice %arg4[%dma_wait3A_365, %dma_wait3A_370, %dma_wait3A_371] : memref<200x4096x64xf32, #tpu.memory_space<hbm>> -> memref<1x256x64xf32, #tpu.memory_space<hbm>>
    %dma_wait3A_373 = tpu.memref_squeeze %dma_wait3A_372 : memref<1x256x64xf32, #tpu.memory_space<hbm>> -> memref<256x64xf32, #tpu.memory_space<hbm>>
    %dma_wait3A_374 = arith.constant 0 : i32
    %dma_wait3A_375 = arith.constant 0 : i32
    %dma_wait3A_376 = tpu.memref_slice %arg4[%dma_wait3A_365, %dma_wait3A_374, %dma_wait3A_375] : memref<200x4096x64xf32, #tpu.memory_space<hbm>> -> memref<1x256x64xf32, #tpu.memory_space<hbm>>
    %dma_wait3A_377 = tpu.memref_squeeze %dma_wait3A_376 : memref<1x256x64xf32, #tpu.memory_space<hbm>> -> memref<256x64xf32, #tpu.memory_space<hbm>>
    %dma_wait3A_378 = arith.constant 0 : i32
    %dma_wait3A_379 = arith.constant 0 : i32
    %dma_wait3A_380 = tpu.memref_slice %arg6[%dma_wait3A_364, %dma_wait3A_378, %dma_wait3A_379] : memref<4x256x64xf32, #tpu.memory_space<vmem>> -> memref<1x256x64xf32, #tpu.memory_space<vmem>>
    %dma_wait3A_381 = tpu.memref_squeeze %dma_wait3A_380 : memref<1x256x64xf32, #tpu.memory_space<vmem>> -> memref<256x64xf32, #tpu.memory_space<vmem>>
    tpu.wait_dma2 semaphore(%arg13 : memref<!tpu.dma_semaphore, #tpu.memory_space<semaphore_mem>>) src(%dma_wait3A_381 : memref<256x64xf32, #tpu.memory_space<vmem>>) dst(%dma_wait3A_377 : memref<256x64xf32, #tpu.memory_space<hbm>>)
    %dma_wait3A_382 = arith.constant 3 : i32
    %dma_wait3A_383 = arith.constant 0 : i32
    %dma_wait3A_384 = arith.constant 0 : i32
    %dma_wait3A_385 = arith.constant 0 : i32
    %dma_wait3A_386 = tpu.memref_slice %arg6[%dma_wait3A_382, %dma_wait3A_384, %dma_wait3A_385] : memref<4x256x64xf32, #tpu.memory_space<vmem>> -> memref<1x256x64xf32, #tpu.memory_space<vmem>>
    %dma_wait3A_387 = tpu.memref_squeeze %dma_wait3A_386 : memref<1x256x64xf32, #tpu.memory_space<vmem>> -> memref<256x64xf32, #tpu.memory_space<vmem>>
    %dma_wait3A_388 = arith.constant 0 : i32
    %dma_wait3A_389 = arith.constant 0 : i32
    %dma_wait3A_390 = tpu.memref_slice %arg4[%dma_wait3A_383, %dma_wait3A_388, %dma_wait3A_389] : memref<200x4096x64xf32, #tpu.memory_space<hbm>> -> memref<1x256x64xf32, #tpu.memory_space<hbm>>
    %dma_wait3A_391 = tpu.memref_squeeze %dma_wait3A_390 : memref<1x256x64xf32, #tpu.memory_space<hbm>> -> memref<256x64xf32, #tpu.memory_space<hbm>>
    %dma_wait3A_392 = arith.constant 0 : i32
    %dma_wait3A_393 = arith.constant 0 : i32
    %dma_wait3A_394 = tpu.memref_slice %arg4[%dma_wait3A_383, %dma_wait3A_392, %dma_wait3A_393] : memref<200x4096x64xf32, #tpu.memory_space<hbm>> -> memref<1x256x64xf32, #tpu.memory_space<hbm>>
    %dma_wait3A_395 = tpu.memref_squeeze %dma_wait3A_394 : memref<1x256x64xf32, #tpu.memory_space<hbm>> -> memref<256x64xf32, #tpu.memory_space<hbm>>
    %dma_wait3A_396 = arith.constant 0 : i32
    %dma_wait3A_397 = arith.constant 0 : i32
    %dma_wait3A_398 = tpu.memref_slice %arg6[%dma_wait3A_382, %dma_wait3A_396, %dma_wait3A_397] : memref<4x256x64xf32, #tpu.memory_space<vmem>> -> memref<1x256x64xf32, #tpu.memory_space<vmem>>
    %dma_wait3A_399 = tpu.memref_squeeze %dma_wait3A_398 : memref<1x256x64xf32, #tpu.memory_space<vmem>> -> memref<256x64xf32, #tpu.memory_space<vmem>>
    tpu.wait_dma2 semaphore(%arg14 : memref<!tpu.dma_semaphore, #tpu.memory_space<semaphore_mem>>) src(%dma_wait3A_399 : memref<256x64xf32, #tpu.memory_space<vmem>>) dst(%dma_wait3A_395 : memref<256x64xf32, #tpu.memory_space<hbm>>)
    return
  }
}

</mosaic_0001>

<sc_bundles>
// kernel: kernel.3.cloned.1.call-start
scs
__scs_entry_jumppad:
0x0: {  	(pc) =	sbr.rel $0x88, $3  }
0x1: {  	(tag) =	ssettag $0x0;
	lr =	simm.s32 $0x1  }
0x2: {  	[smem:$0x3F9F] =	sst lr;
	_ =	strace $0xD0000000  }
0x3: {  	_ = 	snop  }
0x4: {  	_ = 	snop  }
0x5: {  	_ = 	snop  }
0x6: {  	_ = 	snop  }
0x7: {  	_ = 	snop  }
__scs_overlays_trampoline_lowered:
0x8: {  	[smem:$0x3FAE] =	sst s0  }
0x9: {  	[smem:$0x3FAF] =	sst s1  }
0xa: {  	[smem:$0x3FB0] =	sst s2  }
0xb: {  	[smem:$0x3FB1] =	sst s3  }
0xc: {  	[smem:$0x3FB2] =	sst s4  }
0xd: {  	[smem:$0x3FB3] =	sst s5  }
0xe: {  	[smem:$0x3FB4] =	sst s6  }
0xf: {  	[smem:$0x3FB5] =	sst s7  }
0x10: {  	[smem:$0x3FB6] =	sst s8  }
0x11: {  	[smem:$0x3FB7] =	sst s9;
	s0 =	simm.s32 @!p0 $0x0  }
0x12: {  	s1 =	sld [smem:$0x3F9D];
	s0 =	simm.s32 @p0 $0x1  }
0x13: {  	[smem:$0x3FB8] =	sst s0;
	s0 =	simm.s32 @!p1 $0x0  }
0x14: {  	s2 =	sld [smem:$0x3F9C];
	s0 =	simm.s32 @p1 $0x1  }
0x15: {  	[smem:$0x3FB9] =	sst s0;
	s0 =	simm.s32 @!p2 $0x0  }
0x16: {  	s3 =	sld [smem:$0x3FDB];
	s0 =	simm.s32 @p2 $0x1  }
0x17: {  	s4 =	simm.s32 $0x1BF5;
	[smem:$0x3FBB] =	sst s0  }
0x18: {  	s0 =	sld [smem:$0x3F9E];
	_ =	swait.ge [sflag:s4], $0x0  }
0x19: {  	s7 =	sld [smem:$0x3F9F]  }
0x1a: {  	s8 =	sadd.s32 $0xFFFFE003, lr  }
0x1b: {  	s9 =	sadd.s32 $0xFFFFFEF7, lr;
	s5 =	simm.s32 $0xFFFFFFFF;
	p2 =	slt.u32 s8, $0xFFFFF086  }
0x1c: {  	p1 =	slt.u32 s9, $0xF7A;
	s5 =	simm.s32 @!p2 $0x0  }
0x1d: {  	s5 =	simm.s32 @p1 $0x1;
	p0 =	seq.s32 s7, s2  }
0x1e: {  	s7 =	smul.u32 @!p0 $0xF7A, s2;
	p2 =	seq.s32 @!p0 s5, $0x0  }
0x1f: {  	s9 =	smul.u32 $0xF7A, s1;
	s8 =	simm.s32 @!p0 $0x1BF5;
	p2 =	por !p2, p0  }
0x20: {  	[sflag:s8] =	ssyncset.s32 @!p0 $0xFFFFF086;
	s6 =	sadd.s32 @!p0 s3, s7;
	s7 =	simm.s32 @!p0 $0x108  }
0x21: {  	s3 =	sadd.s32 s3, s9;
	s6 =	sadd.s32 @!p0 $0x88, s6;
	s7 =	simm.s32 @p2 $0x1082  }
0x22: {  	[simem:s7], [sflag:s8] =	dma.local @!p0 [hbm:s6], $0xF7A  }
0x23: {  	s9 =	sor.u32 $0xD0000000, s2;
	s6 =	simm.s32 $0x108;
	_ =	swait.ge @!p0 [sflag:s8], $0x0  }
0x24: {  	s3 =	sadd.s32 $0x88, s3;
	s6 =	simm.s32 @!p1 $0x1082;
	[sflag:s4] =	ssyncset.s32 $0xFFFFF086  }
0x25: {  	[simem:s6], [sflag:s4] =	dma.local [hbm:s3], $0xF7A  }
0x26: {  	[smem:$0x3F9F] =	sst s1;
	(tag) =	ssettag s2;
	_ =	strace s9  }
0x27: {  	s1 =	sld [smem:$0x3FAF]  }
0x28: {  	s2 =	sld [smem:$0x3FB0]  }
0x29: {  	s4 =	sld [smem:$0x3FB2]  }
0x2a: {  	p0 =	seq.s32 s5, $0x0;
	s5 =	sld [smem:$0x3FB3]  }
0x2b: {  	s6 =	sld [smem:$0x3FB4]  }
0x2c: {  	s7 =	sld [smem:$0x3FB5]  }
0x2d: {  	s3 =	simm.s32 $0x108;
	s8 =	sld [smem:$0x3FB6]  }
0x2e: {  	s3 =	simm.s32 @!p0 $0x1082;
	s9 =	sld [smem:$0x3FB7]  }
0x2f: {  	lr =	sadd.s32 s0, s3;
	s0 =	sld [smem:$0x3FAE]  }
0x30: {  	s3 =	sld [smem:$0x3FB1]  }
0x31: {  	[smem:$0x3FBA] =	sst s10  }
0x32: {  	s10 =	sld [smem:$0x3FB8];
	_ =	sdelay $0x3  }
0x33: {  	p0 =	seq.s32 s10, $0x1;
	s10 =	sld [smem:$0x3FBA];
	_ =	sdelay $0x3  }
0x34: {  	[smem:$0x3FBA] =	sst s10  }
0x35: {  	s10 =	sld [smem:$0x3FB9];
	_ =	sdelay $0x3  }
0x36: {  	p1 =	seq.s32 s10, $0x1;
	s10 =	sld [smem:$0x3FBA];
	_ =	sdelay $0x3  }
0x37: {  	[smem:$0x3FBA] =	sst s10  }
0x38: {  	s10 =	sld [smem:$0x3FBB]  }
0x39: {  	_ = 	snop;
	(pc) =	sbr.ind lr, $3  }
0x3a: {  	_ = 	snop  }
0x3b: {  	_ = 	snop  }
0x3c: {  	p2 =	seq.s32 s10, $0x1;
	s10 =	sld [smem:$0x3FBA]  }
0x3d: {  	_ =	shalt  }
0x3e: {  	_ =	shalt  }
0x3f: {  	_ =	shalt  }
0x40: {  	_ =	shalt  }
0x41: {  	_ =	shalt  }
0x42: {  	_ =	shalt  }
0x43: {  	_ =	shalt  }
0x44: {  	_ =	shalt  }
0x45: {  	_ =	shalt  }
0x46: {  	_ =	shalt  }
0x47: {  	_ =	shalt  }
0x48: {  	_ =	shalt  }
0x49: {  	_ =	shalt  }
0x4a: {  	_ =	shalt  }
0x4b: {  	_ =	shalt  }
0x4c: {  	_ =	shalt  }
0x4d: {  	_ =	shalt  }
0x4e: {  	_ =	shalt  }
0x4f: {  	_ =	shalt  }
0x50: {  	_ =	shalt  }
0x51: {  	_ =	shalt  }
0x52: {  	_ =	shalt  }
0x53: {  	_ =	shalt  }
0x54: {  	_ =	shalt  }
0x55: {  	_ =	shalt  }
0x56: {  	_ =	shalt  }
0x57: {  	_ =	shalt  }
0x58: {  	_ =	shalt  }
0x59: {  	_ =	shalt  }
0x5a: {  	_ =	shalt  }
0x5b: {  	_ =	shalt  }
0x5c: {  	_ =	shalt  }
0x5d: {  	_ =	shalt  }
0x5e: {  	_ =	shalt  }
0x5f: {  	_ =	shalt  }
0x60: {  	_ =	shalt  }
0x61: {  	_ =	shalt  }
0x62: {  	_ =	shalt  }
0x63: {  	_ =	shalt  }
0x64: {  	_ =	shalt  }
0x65: {  	_ =	shalt  }
0x66: {  	_ =	shalt  }
0x67: {  	_ =	shalt  }
0x68: {  	_ =	shalt  }
0x69: {  	_ =	shalt  }
0x6a: {  	_ =	shalt  }
0x6b: {  	_ =	shalt  }
0x6c: {  	_ =	shalt  }
0x6d: {  	_ =	shalt  }
0x6e: {  	_ =	shalt  }
0x6f: {  	_ =	shalt  }
0x70: {  	_ =	shalt  }
0x71: {  	_ =	shalt  }
0x72: {  	_ =	shalt  }
0x73: {  	_ =	shalt  }
0x74: {  	_ =	shalt  }
0x75: {  	_ =	shalt  }
0x76: {  	_ =	shalt  }
0x77: {  	_ =	shalt  }
0x78: {  	_ =	shalt  }
0x79: {  	_ =	shalt  }
0x7a: {  	_ =	shalt  }
0x7b: {  	_ =	shalt  }
0x7c: {  	_ =	shalt  }
0x7d: {  	_ =	shalt  }
0x7e: {  	_ =	shalt  }
0x7f: {  	_ =	shalt  }
0x80: {  	_ =	shalt  }
0x81: {  	_ =	shalt  }
0x82: {  	_ =	shalt  }
0x83: {  	_ =	shalt  }
0x84: {  	_ =	shalt  }
0x85: {  	_ =	shalt  }
0x86: {  	_ =	shalt  }
0x87: {  	_ =	shalt  }
.Lfunc_end0:
.L_simem_size_0:
called_computation.1_lowered:
.L_overlay_start_0:
0x88: {  	s2 =	sld [smem:$0x3FD9]  }
0x89: {  	s3 =	sld [smem:$0x3FFE];
	_ =	sdelay $0x1  }
0x8a: {  	s1 =	srdreg.scid  }
0x8b: {  	s0 =	sand.u32 $0x1, s1  }
0x8c: {  	s17 =	sshll.u32 s0, $0xA;
	s2 =	sadd.s32 s3, s2  }
0x8d: {  	s2 =	sadd.s32 s2, s17  }
0x8e: {  	[smem:$0x3FC6] =	sst s2  }
0x8f: {  	_ = 	snop  }
0x90: {  	s2 =	sld [smem:$0x3FD0];
	(tm) =	ssettm $0x1  }
0x91: {  	s18 =	sld [smem:$0x3FFB];
	_ =	sdelay $0x3  }
0x92: {  	_ =	strace s18  }
0x93: {  	s3 =	sld [smem:$0x3FFC];
	_ =	sdelay $0x3  }
0x94: {  	_ =	strace s3  }
0x95: {  	s3 =	sld [smem:$0x3FFD];
	_ =	sdelay $0x3  }
0x96: {  	_ =	strace s3  }
0x97: {  	_ =	strace $0x8FFFFFFF  }
0x98: {  	s19 =	sld [smem:$0x3FDB];
	_ =	sdelay $0x1  }
0x99: {  	s4 =	simm.s32 $_scs_section_size  }
0x9a: {  	s5 =	simm.s32 $_size__tile_overlayer_lowered;
	s6 =	simm.s32 $_tile_overlayer_lowered  }
0x9b: {  	s22 =	simm.s32 $0x1BFF;
	s21 =	sshll.u32 s6, $0x1;
	s3 =	sadd.s32 s4, s19  }
0x9c: {  	s7 =	simm.s32 $0x0;
	s20 =	sshll.u32 s5, $0x1;
	s5 =	sadd.s32 s21, s3  }
0x9d: {  	[timem:s7], [sflag:s22] =	dma.local [hbm:s5], s20  }
0x9e: {  	_ =	swait.ge [sflag:s22], s20  }
0x9f: {  	s4 =	ssub.s32 $0x0, s20;
	[sflag:s22] =	ssyncset.done $0x0  }
0xa0: {  	[sflag:s22] =	ssyncadd.s32 s4;
	_ =	sdelay $0x1  }
0xa1: {  	s23 =	simm.s32 $0x1B8B  }
0xa2: {  	_ =	swait.ge [sflag:s23], $0x1  }
0xa3: {  	[sflag:s23] =	ssyncset.done $0x0  }
0xa4: {  	s25 =	simm.s32 $0x1B8E;
	s24 =	sld [smem:$0x3FFE];
	[sflag:s23] =	ssyncadd.s32 $0xFFFFFFFF  }
0xa5: {  	s26 =	simm.s32 $execute0_lowered;
	[smem:$0x3FD2] =	sst s25  }
0xa6: {  	s5 =	sshll.u32 s26, $0x1;
	_ =	strace $0x80000046;
	[dreg:$0x1] =	wrdreg $0xFFFFFFFF  }
0xa7: {  	s28 =	simm.s32 $_size_execute0_lowered;
	s3 =	sadd.s32 s3, s5;
	[dreg:$0x0] =	wrdreg $0x0  }
0xa8: {  	s5 =	sshll.u32 s28, $0x1;
	[dreg:$0x2] =	wrdreg s3  }
0xa9: {  	[dreg:$0x3] =	wrdreg s5  }
0xaa: {  	[dreg:$0x4] =	wrdreg $0xC0  }
0xab: {  	_ =	task [dreg:s7], $0x5FFFF  }
0xac: {  	[dreg:$0x1] =	wrdreg $0xFFFFFFFF  }
0xad: {  	[dreg:$0x0] =	wrdreg $0x60  }
0xae: {  	[dreg:$0x2] =	wrdreg s24  }
0xaf: {  	[dreg:$0x3] =	wrdreg s2  }
0xb0: {  	[dreg:$0x4] =	wrdreg $0x9  }
0xb1: {  	_ =	task.clear_ibuf [dreg:s7], $0x5FFFF;
	_ =	strace $0x90000046  }
0xb2: {  	s29 =	simm.s32 $0x9;
	_ =	strace $0x80000048  }
0xb3: {  	_ =	swait.ge [sflag:s29], $0x1  }
0xb4: {  	[sflag:s29] =	ssyncadd.s32 $0xFFFFFFFF  }
0xb5: {  	_ =	strace $0x90000048  }
0xb6: {  	_ =	sfence  }
0xb7: {  	s30 =	sld [smem:$0x0];
	_ =	sdelay $0x2  }
0xb8: {  	s31 =	sshll.u32 s1, $0xD;
	s1 =	sshrl.u32 s1, $0x2  }
0xb9: {  	s3 =	sand.u32 $0x4000, s31;
	s1 =	sadd.s32 s1, s30  }
0xba: {  	s0 =	sor.u32 s3, s0;
	s1 =	sshll.u32 s1, $0x11  }
0xbb: {  	s0 =	sor.u32 s1, s0  }
0xbc: {  	s0 =	sadd.s32 $0x8F2B, s0  }
0xbd: {  	[sflag:s0] =	ssyncadd.remote.s32 $0x1  }
0xbe: {  	_ =	sfence.sel $0xFFFF  }
0xbf: {  	[dreg:$0x0] =	wrdreg $0xFFFFFFFF;
	(pc) =	sbr.abs _section_cstart, $3  }
0xc0: {  	[dreg:$0x1] =	wrdreg $0xFFFFFFFF  }
0xc1: {  	_ =	task.clear_ibuf [dreg:s7], $0x2FFFF;
	_ =	strace $0x9FFFFFFF  }
0xc2: {  	(tm) =	ssettm $0x7FFFFFFF  }
0xc3: {  	_ =	shalt  }
tec
execute0_lowered:
.L_overlay_start_1:
0x0: {  	(tag) =	ssettag $0x1  }
0x1: {  	s0 =	rddreg [dreg:$0x0]  }
0x2: {  	s1 =	srdreg.scid;
	s10 =	stileid.u32  }
0x3: {  	s4 =	rddreg [dreg:$0x1];
	s2 =	simm.s32 $0x0;
	s14 =	simm.s32 $0x9  }
0x4: {  	s15 =	simm.s32 $0x100;
	s16 =	simm.s32 $0x6400;
	s17 =	simm.s32 $0xA400  }
0x5: {  	s18 =	simm.s32 $0x1;
	s20 =	simm.s32 $0xE400;
	s21 =	simm.s32 $0x2  }
0x6: {  	s28 =	simm.s32 $0x6;
	s29 =	simm.s32 $0x7;
	s30 =	simm.s32 $0x8  }
0x7: {  	s1 =	sand.u32 $0x1, s1;
	s3 =	sshll.u32 s10, $0x1;
	s10 =	smul.u32 $0xC8, s10  }
0x8: {  	s5 =	sor.u32 s1, s3;
	s7 =	ssub.s32 $0x2, s1;
	s1 =	smul.u32 $0x64, s1  }
0x9: {  	s31 =	simm.s32 $0x0;
	[smem:$0x7FF] =	sst s2;
	s3 =	smul.u32 $0xC80, s5  }
0xa: {  	_ =	strace $0x80000047;
	s8 =	smul.u32 $0x190000, s5;
	s5 =	sshll.u32 s5, $0x10  }
0xb: {  	s22 =	sshrl.u32 s7, $0x1;
	s5 =	sand.u32 $0x30000, s5;
	s1 =	sadd.s32 s1, s10  }
0xc: {  	s6 =	sadd.s32 s3, s0;
	s3 =	sadd.s32 $0xF42E00, s0;
	s9 =	sand.u32 $0x3FC0000, s8  }
0xd: {  	s0 =	ssub.s32 s7, s22;
	s23 =	sshrl.u32 s8, $0x3;
	s1 =	sshll.u32 s1, $0xB  }
0xe: {  	s5 =	sor.u32 s5, s9;
	s6 =	sadd.s32 $0xA00, s6;
	s9 =	smax.u32 s0, $0x1  }
0xf: {  	s26 =	sadd.s32 s1, s4;
	[dreg:$0x3] =	wrdreg s6;
	s5 =	sshrl.u32 s5, $0x3  }
0x10: {  	s6 =	sadd.s32 s4, s23;
	s10 =	sadd.s32 $0x1800, s26;
	s11 =	sadd.s32 $0x1000, s26  }
0x11: {  	s12 =	sadd.s32 $0x2000, s26;
	s13 =	sadd.s32 $0x2800, s26;
	s23 =	simm.s32 $0x12400  }
0x12: {  	s26 =	simm.s32 $0x4;
	s5 =	sadd.s32 s4, s5;
	s25 =	sadd.s32 $0x31000, s6  }
0x13: {  	s8 =	sadd.s32 $0x31800, s6;
	s24 =	sadd.s32 $0x800, s5;
	[dreg:$0x5] =	wrdreg s25  }
0x14: {  	s25 =	simm.s32 $0x5;
	[dreg:$0x4] =	wrdreg s24;
	s24 =	simm.s32 $0x3  }
.LBB2_1:
0x15: {  	s0 =	rddreg [dreg:$0x3]  }
0x16: {  	[tilespmem:s2], [sflag:$0x9] =	stream.linear.gather [hbm4b:s0+s2], $0x6400, $0x38;
	[tilespmem:$0x16400] =	vst v63  }
0x17: {  	_ =	swait.ge [sflag:s14], $0x6400  }
0x18: {  	[sflag:s14] =	ssyncset.done $0x0  }
0x19: {  	[sflag:s14] =	ssyncadd.s32 $0xFFFF9C00  }
0x1a: {  	[tilespmem:s16], [sflag:$0x1] =	stream.indirect.gather [hbm4b:s3+s15], $0x40, s2, s15, $0xb8;
	[tilespmem:$0x16400] =	vst v63  }
0x1b: {  	_ = 	snop  }
0x1c: {  	[tilespmem:s17], [sflag:$0x2] =	stream.indirect.gather [hbm4b:s3+s15], $0x40, s15, s15, $0xb8;
	[tilespmem:$0x16400] =	vst v63  }
0x1d: {  	_ =	swait.ge [sflag:s18], $0x4000  }
0x1e: {  	[sflag:s18] =	ssyncset.done $0x0  }
0x1f: {  	[sflag:s18] =	ssyncadd.s32 $0xFFFFC000  }
0x20: {  	[hbm4b:s5+s2] =	stream.linear.scatter [tilespmem:s16], [sflag:$0x5], $0x4000, $0x38;
	[tilespmem:$0x16400] =	vst v63  }
0x21: {  	s1 =	simm.s32 $0x200  }
0x22: {  	[tilespmem:s20], [sflag:$0x3] =	stream.indirect.gather [hbm4b:s3+s15], $0x40, s1, s15, $0xb8;
	[tilespmem:$0x16400] =	vst v63  }
0x23: {  	_ =	swait.ge [sflag:s21], $0x4000  }
0x24: {  	[sflag:s21] =	ssyncset.done $0x0  }
0x25: {  	s4 =	rddreg [dreg:$0x4];
	[sflag:s21] =	ssyncadd.s32 $0xFFFFC000  }
0x26: {  	[hbm4b:s4+s2] =	stream.linear.scatter [tilespmem:s17], [sflag:$0x6], $0x4000, $0x38;
	[tilespmem:$0x16400] =	vst v63  }
0x27: {  	s6 =	simm.s32 $0x300  }
0x28: {  	[tilespmem:s23], [sflag:$0x4] =	stream.indirect.gather [hbm4b:s3+s15], $0x40, s6, s15, $0xb8;
	[tilespmem:$0x16400] =	vst v63  }
0x29: {  	_ =	swait.ge [sflag:s24], $0x4000  }
0x2a: {  	[sflag:s24] =	ssyncset.done $0x0  }
0x2b: {  	[sflag:s24] =	ssyncadd.s32 $0xFFFFC000  }
0x2c: {  	[hbm4b:s11+s2] =	stream.linear.scatter [tilespmem:s20], [sflag:$0x7], $0x4000, $0x38;
	[tilespmem:$0x16400] =	vst v63  }
0x2d: {  	_ =	swait.ge [sflag:s25], $0x4000  }
0x2e: {  	[sflag:s25] =	ssyncset.done $0x0  }
0x2f: {  	s7 =	simm.s32 $0x400;
	[sflag:s25] =	ssyncadd.s32 $0xFFFFC000  }
0x30: {  	[tilespmem:s16], [sflag:$0x1] =	stream.indirect.gather [hbm4b:s3+s15], $0x40, s7, s15, $0xb8;
	[tilespmem:$0x16400] =	vst v63  }
0x31: {  	_ =	swait.ge [sflag:s26], $0x4000  }
0x32: {  	[sflag:s26] =	ssyncset.done $0x0  }
0x33: {  	[sflag:s26] =	ssyncadd.s32 $0xFFFFC000  }
0x34: {  	[hbm4b:s10+s2] =	stream.linear.scatter [tilespmem:s23], [sflag:$0x8], $0x4000, $0x38;
	[tilespmem:$0x16400] =	vst v63  }
0x35: {  	_ =	swait.ge [sflag:s28], $0x4000  }
0x36: {  	[sflag:s28] =	ssyncset.done $0x0  }
0x37: {  	s19 =	simm.s32 $0x500;
	[sflag:s28] =	ssyncadd.s32 $0xFFFFC000  }
0x38: {  	[tilespmem:s17], [sflag:$0x2] =	stream.indirect.gather [hbm4b:s3+s15], $0x40, s19, s15, $0xb8;
	[tilespmem:$0x16400] =	vst v63  }
0x39: {  	_ =	swait.ge [sflag:s18], $0x4000  }
0x3a: {  	[sflag:s18] =	ssyncset.done $0x0  }
0x3b: {  	[sflag:s18] =	ssyncadd.s32 $0xFFFFC000  }
0x3c: {  	[hbm4b:s12+s2] =	stream.linear.scatter [tilespmem:s16], [sflag:$0x5], $0x4000, $0x38;
	[tilespmem:$0x16400] =	vst v63  }
0x3d: {  	_ =	swait.ge [sflag:s29], $0x4000  }
0x3e: {  	[sflag:s29] =	ssyncset.done $0x0  }
0x3f: {  	s22 =	simm.s32 $0x600;
	[sflag:s29] =	ssyncadd.s32 $0xFFFFC000  }
0x40: {  	[tilespmem:s20], [sflag:$0x3] =	stream.indirect.gather [hbm4b:s3+s15], $0x40, s22, s15, $0xb8;
	[tilespmem:$0x16400] =	vst v63  }
0x41: {  	_ =	swait.ge [sflag:s21], $0x4000  }
0x42: {  	[sflag:s21] =	ssyncset.done $0x0  }
0x43: {  	[sflag:s21] =	ssyncadd.s32 $0xFFFFC000  }
0x44: {  	[hbm4b:s13+s2] =	stream.linear.scatter [tilespmem:s17], [sflag:$0x6], $0x4000, $0x38;
	[tilespmem:$0x16400] =	vst v63  }
0x45: {  	s0 =	sadd.s32 $0x2000, s13;
	s1 =	simm.s32 $0x1000;
	_ =	swait.ge [sflag:s30], $0x4000  }
0x46: {  	s4 =	sadd.s32 $0x2000, s10;
	s6 =	simm.s32 $0x700;
	[sflag:s30] =	ssyncset.done $0x0  }
0x47: {  	s19 =	sadd.s32 $0x2000, s11;
	s22 =	sadd.s32 $0x2000, s12;
	[sflag:s30] =	ssyncadd.s32 $0xFFFFC000  }
.LBB2_2:
0x48: {  	[tilespmem:s23], [sflag:$0x4] =	stream.indirect.gather [hbm4b:s3+s15], $0x40, s6, s15, $0xb8;
	[tilespmem:$0x16400] =	vst v63  }
0x49: {  	s6 =	smov.u32 s1  }
0x4a: {  	p0 =	sne.s32 s1, $0x17000;
	s1 =	sadd.s32 $0x1000, s1;
	_ =	swait.ge [sflag:s24], $0x4000  }
0x4b: {  	[sflag:s24] =	ssyncset.done $0x0  }
0x4c: {  	[sflag:s24] =	ssyncadd.s32 $0xFFFFC000  }
0x4d: {  	[hbm4b:s19+s2] =	stream.linear.scatter [tilespmem:s20], [sflag:$0x7], $0x4000, $0x38;
	[tilespmem:$0x16400] =	vst v63  }
0x4e: {  	_ =	swait.ge [sflag:s25], $0x4000  }
0x4f: {  	s6 =	sshra.s32 s6, $0x2;
	[sflag:s25] =	ssyncset.done $0x0  }
0x50: {  	s7 =	sadd.s32 $0x400, s6;
	[sflag:s25] =	ssyncadd.s32 $0xFFFFC000  }
0x51: {  	[tilespmem:s16], [sflag:$0x1] =	stream.indirect.gather [hbm4b:s3+s15], $0x40, s7, s15, $0xb8;
	[tilespmem:$0x16400] =	vst v63  }
0x52: {  	_ =	swait.ge [sflag:s26], $0x4000  }
0x53: {  	[sflag:s26] =	ssyncset.done $0x0  }
0x54: {  	[sflag:s26] =	ssyncadd.s32 $0xFFFFC000  }
0x55: {  	[hbm4b:s4+s2] =	stream.linear.scatter [tilespmem:s23], [sflag:$0x8], $0x4000, $0x38;
	[tilespmem:$0x16400] =	vst v63  }
0x56: {  	_ =	swait.ge [sflag:s28], $0x4000  }
0x57: {  	[sflag:s28] =	ssyncset.done $0x0  }
0x58: {  	s7 =	sadd.s32 $0x500, s6;
	[sflag:s28] =	ssyncadd.s32 $0xFFFFC000  }
0x59: {  	[tilespmem:s17], [sflag:$0x2] =	stream.indirect.gather [hbm4b:s3+s15], $0x40, s7, s15, $0xb8;
	[tilespmem:$0x16400] =	vst v63  }
0x5a: {  	_ =	swait.ge [sflag:s18], $0x4000  }
0x5b: {  	[sflag:s18] =	ssyncset.done $0x0  }
0x5c: {  	[sflag:s18] =	ssyncadd.s32 $0xFFFFC000  }
0x5d: {  	[hbm4b:s22+s2] =	stream.linear.scatter [tilespmem:s16], [sflag:$0x5], $0x4000, $0x38;
	[tilespmem:$0x16400] =	vst v63  }
0x5e: {  	_ =	swait.ge [sflag:s29], $0x4000  }
0x5f: {  	[sflag:s29] =	ssyncset.done $0x0  }
0x60: {  	s7 =	sadd.s32 $0x600, s6;
	[sflag:s29] =	ssyncadd.s32 $0xFFFFC000  }
0x61: {  	[tilespmem:s20], [sflag:$0x3] =	stream.indirect.gather [hbm4b:s3+s15], $0x40, s7, s15, $0xb8;
	[tilespmem:$0x16400] =	vst v63  }
0x62: {  	_ =	swait.ge [sflag:s21], $0x4000  }
0x63: {  	[sflag:s21] =	ssyncset.done $0x0  }
.Ltmp0:
0x64: {  	[sflag:s21] =	ssyncadd.s32 $0xFFFFC000;
	(pc) =	sbr.rel @p0 .LBB2_2-.Ltmp0, $4  }
0x65: {  	[hbm4b:s0+s2] =	stream.linear.scatter [tilespmem:s17], [sflag:$0x6], $0x4000, $0x38;
	[tilespmem:$0x16400] =	vst v63  }
0x66: {  	s0 =	sadd.s32 $0x2000, s0;
	_ =	swait.ge [sflag:s30], $0x4000  }
0x67: {  	s19 =	sadd.s32 $0x2000, s19;
	s22 =	sadd.s32 $0x2000, s22;
	[sflag:s30] =	ssyncset.done $0x0  }
0x68: {  	s4 =	sadd.s32 $0x2000, s4;
	s6 =	sadd.s32 $0x700, s6;
	[sflag:s30] =	ssyncadd.s32 $0xFFFFC000  }
0x69: {  	[tilespmem:s23], [sflag:$0x4] =	stream.indirect.gather [hbm4b:s3+s15], $0x40, s6, s15, $0xb8;
	[tilespmem:$0x16400] =	vst v63  }
0x6a: {  	_ =	swait.ge [sflag:s24], $0x4000  }
0x6b: {  	[sflag:s24] =	ssyncset.done $0x0  }
0x6c: {  	s0 =	rddreg [dreg:$0x5];
	[sflag:s24] =	ssyncadd.s32 $0xFFFFC000  }
0x6d: {  	[hbm4b:s0+s2] =	stream.linear.scatter [tilespmem:s20], [sflag:$0x7], $0x4000, $0x38;
	[tilespmem:$0x16400] =	vst v63  }
0x6e: {  	_ =	swait.ge [sflag:s26], $0x4000  }
0x6f: {  	[sflag:s26] =	ssyncset.done $0x0  }
0x70: {  	[sflag:s26] =	ssyncadd.s32 $0xFFFFC000  }
0x71: {  	[hbm4b:s8+s2] =	stream.linear.scatter [tilespmem:s23], [sflag:$0x8], $0x4000, $0x38;
	[tilespmem:$0x16400] =	vst v63  }
0x72: {  	_ =	swait.ge [sflag:s25], $0x4000  }
0x73: {  	[sflag:s25] =	ssyncset.done $0x0  }
0x74: {  	[sflag:s25] =	ssyncadd.s32 $0xFFFFC000  }
0x75: {  	_ =	swait.ge [sflag:s28], $0x4000  }
0x76: {  	[sflag:s28] =	ssyncset.done $0x0  }
0x77: {  	s31 =	sadd.s32 $0x1, s31;
	[sflag:s28] =	ssyncadd.s32 $0xFFFFC000  }
0x78: {  	p0 =	sne.s32 s31, s9;
	_ =	swait.ge [sflag:s29], $0x4000  }
.Ltmp1:
0x79: {  	[sflag:s29] =	ssyncset.done $0x0;
	(pc) =	sbr.rel @p0 .LBB2_1-.Ltmp1, $4  }
0x7a: {  	[sflag:s29] =	ssyncadd.s32 $0xFFFFC000  }
0x7b: {  	_ =	swait.ge [sflag:s30], $0x4000  }
0x7c: {  	[sflag:s30] =	ssyncset.done $0x0  }
0x7d: {  	[sflag:s30] =	ssyncadd.s32 $0xFFFFC000  }
0x7e: {  	_ =	sfence.sel $0x180000  }
0x7f: {  	[bflag:$0x0] =	sbarrier.arrive $0xFFFF  }
0x80: {  	_ =	strace $0x90000047  }
0x81: {  	s0 =	stileid.u32;
	[bflag:$0x2] =	sbarrier.arrive $0xFFFF  }
0x82: {  	p0 =	sne.s32 s0, $0x0;
	s0 =	rddreg [dreg:$0x2]  }
0x83: {  	s0 =	sadd.s32 @!p0 $0x100000, s0  }
0x84: {  	[sflag:s0] =	ssyncadd.tile.s32 @!p0 $0x1;
	_ =	shalt  }
.Lfunc_end2:
_tile_overlayer_lowered:
.L_overlay_start_2:
0x85: {  	(tag) =	ssettag $0x2  }
0x86: {  	s0 =	rddreg [dreg:$0x0];
	s2 =	stileid.u32  }
0x87: {  	s1 =	rddreg [dreg:$0x1];
	p0 =	sne.s32 s2, $0x0  }
0x88: {  	s3 =	rddreg [dreg:$0x2];
	[bflag:$0x3] =	sbarrier.arrive $0xFFFF;
	s2 =	simm.s32 @!p0 $0x1C09  }
0x89: {  	[timem:s3], [sflag:s2] =	dma.local @!p0 [hbm:s0], s1  }
0x8a: {  	s0 =	simm.s32 @!p0 $0x9  }
0x8b: {  	_ =	swait.ge @!p0 [sflag:s0], s1  }
0x8c: {  	s1 =	ssub.s32 @!p0 $0x0, s1;
	[sflag:s0] =	ssyncset.done @!p0 $0x0  }
0x8d: {  	[sflag:s0] =	ssyncadd.s32 @!p0 s1  }
0x8e: {  	[bflag:$0x3] =	sbarrier.arrive $0xFFFF  }
0x8f: {  	_ =	shalt  }

// kernel: sparse-core-data-format-call.cloned.1.call-start
scs
called_computation_lowered:
.L_overlay_start_0:
0x0: {  	s2 =	sld [smem:$0x3FD9]  }
0x1: {  	s3 =	sld [smem:$0x3FFE];
	_ =	sdelay $0x1  }
0x2: {  	s1 =	srdreg.scid  }
0x3: {  	s0 =	sand.u32 $0x1, s1  }
0x4: {  	s18 =	sshll.u32 s0, $0xA;
	s2 =	sadd.s32 s3, s2  }
0x5: {  	s2 =	sadd.s32 s2, s18  }
0x6: {  	[smem:$0x3FC6] =	sst s2  }
0x7: {  	_ = 	snop  }
0x8: {  	s2 =	sld [smem:$0x3FD0];
	(tm) =	ssettm $0x1  }
0x9: {  	s19 =	sld [smem:$0x3FFB];
	_ =	sdelay $0x3  }
0xa: {  	_ =	strace s19  }
0xb: {  	s3 =	sld [smem:$0x3FFC];
	_ =	sdelay $0x3  }
0xc: {  	_ =	strace s3  }
0xd: {  	s3 =	sld [smem:$0x3FFD];
	_ =	sdelay $0x3  }
0xe: {  	_ =	strace s3  }
0xf: {  	_ =	strace $0x8FFFFFFF  }
0x10: {  	s20 =	sld [smem:$0x3FDB];
	_ =	sdelay $0x1  }
0x11: {  	s4 =	simm.s32 $_scs_section_size  }
0x12: {  	s5 =	simm.s32 $_size__tile_overlayer_lowered;
	s6 =	simm.s32 $_tile_overlayer_lowered  }
0x13: {  	s23 =	simm.s32 $0x1BFF;
	s22 =	sshll.u32 s6, $0x1;
	s3 =	sadd.s32 s4, s20  }
0x14: {  	s7 =	simm.s32 $0x0;
	s21 =	sshll.u32 s5, $0x1;
	s5 =	sadd.s32 s22, s3  }
0x15: {  	[timem:s7], [sflag:s23] =	dma.local [hbm:s5], s21  }
0x16: {  	_ =	swait.ge [sflag:s23], s21  }
0x17: {  	s4 =	ssub.s32 $0x0, s21;
	[sflag:s23] =	ssyncset.done $0x0  }
0x18: {  	[sflag:s23] =	ssyncadd.s32 s4;
	_ =	sdelay $0x1  }
0x19: {  	s24 =	simm.s32 $0x1B8B  }
0x1a: {  	_ =	swait.ge [sflag:s24], $0x1  }
0x1b: {  	[sflag:s24] =	ssyncset.done $0x0  }
0x1c: {  	s26 =	simm.s32 $0x1B8E;
	s25 =	sld [smem:$0x3FFE];
	[sflag:s24] =	ssyncadd.s32 $0xFFFFFFFF  }
0x1d: {  	s27 =	simm.s32 $execute0_lowered;
	[smem:$0x3FD2] =	sst s26  }
0x1e: {  	s5 =	sshll.u32 s27, $0x1;
	_ =	strace $0x80000049;
	[dreg:$0x1] =	wrdreg $0xFFFFFFFF  }
0x1f: {  	s28 =	simm.s32 $_size_execute0_lowered;
	s3 =	sadd.s32 s3, s5;
	[dreg:$0x0] =	wrdreg $0x0  }
0x20: {  	s5 =	sshll.u32 s28, $0x1;
	[dreg:$0x2] =	wrdreg s3  }
0x21: {  	[dreg:$0x3] =	wrdreg s5  }
0x22: {  	[dreg:$0x4] =	wrdreg $0xC0  }
0x23: {  	_ =	task [dreg:s7], $0x5FFFF  }
0x24: {  	[dreg:$0x1] =	wrdreg $0xFFFFFFFF  }
0x25: {  	[dreg:$0x0] =	wrdreg $0x60  }
0x26: {  	[dreg:$0x2] =	wrdreg s25  }
0x27: {  	[dreg:$0x3] =	wrdreg s2  }
0x28: {  	[dreg:$0x4] =	wrdreg $0x9  }
0x29: {  	_ =	task.clear_ibuf [dreg:s7], $0x5FFFF;
	_ =	strace $0x90000049  }
0x2a: {  	s29 =	simm.s32 $0x9;
	_ =	strace $0x8000004B  }
0x2b: {  	_ =	swait.ge [sflag:s29], $0x1  }
0x2c: {  	[sflag:s29] =	ssyncadd.s32 $0xFFFFFFFF  }
0x2d: {  	_ =	strace $0x9000004B  }
0x2e: {  	_ =	sfence  }
0x2f: {  	s30 =	sld [smem:$0x0];
	_ =	sdelay $0x2  }
0x30: {  	s31 =	sshll.u32 s1, $0xD;
	s1 =	sshrl.u32 s1, $0x2  }
0x31: {  	s3 =	sand.u32 $0x4000, s31;
	s1 =	sadd.s32 s1, s30  }
0x32: {  	s0 =	sor.u32 s3, s0;
	s1 =	sshll.u32 s1, $0x11  }
0x33: {  	s0 =	sor.u32 s1, s0  }
0x34: {  	s0 =	sadd.s32 $0x8F2B, s0  }
0x35: {  	[sflag:s0] =	ssyncadd.remote.s32 $0x1  }
0x36: {  	_ =	sfence.sel $0xFFFF  }
0x37: {  	[dreg:$0x0] =	wrdreg $0xFFFFFFFF;
	(pc) =	sbr.abs _section_cstart, $3  }
0x38: {  	[dreg:$0x1] =	wrdreg $0xFFFFFFFF  }
0x39: {  	_ =	task.clear_ibuf [dreg:s7], $0x2FFFF;
	_ =	strace $0x9FFFFFFF  }
0x3a: {  	(tm) =	ssettm $0x7FFFFFFF  }
0x3b: {  	_ =	shalt  }
tec
execute0_lowered:
.L_overlay_start_1:
0x0: {  	(tag) =	ssettag $0x1  }
0x1: {  	s0 =	srdreg.scid  }
0x2: {  	s1 =	sshll.u32 s0, $0x4  }
0x3: {  	s5 =	rddreg [dreg:$0x0];
	s0 =	stileid.u32;
	s1 =	sand.u32 $0x10, s1  }
0x4: {  	s3 =	rddreg [dreg:$0x1];
	s31 =	simm.s32 $0x2;
	s4 =	sor.u32 s0, s1  }
0x5: {  	s13 =	simm.s32 $0x0;
	s9 =	simm.s32 $0x400;
	s2 =	sshll.u32 s4, $0x7  }
0x6: {  	s10 =	simm.s32 $0x8000;
	s14 =	simm.s32 $0x0;
	s6 =	ssub.s32 $0x1000, s2  }
0x7: {  	s1 =	rddreg [dreg:$0x2];
	_ =	strace $0x8000004A;
	s7 =	sand.u32 $0xF80, s6  }
0x8: {  	s4 =	sshll.u32 s4, $0xB;
	p0 =	sne.s32 s7, $0x0;
	s7 =	simm.s32 $0x1  }
.Ltmp0:
0x9: {  	s6 =	sshrl.u32 s6, $0xC;
	s7 =	simm.s32 @!p0 $0x0;
	(pc) =	sbr.rel .LBB1_1-.Ltmp0, $4  }
0xa: {  	s8 =	sadd.s32 s4, s5;
	s4 =	simm.s32 $0x1;
	s30 =	sadd.s32 s7, s6  }
0xb: {  	s11 =	simm.s32 $0x0;
	[sflag:s4] =	ssyncpa.u1 $0x0;
	s5 =	smul.u32 $0x64, s30  }
0xc: {  	s12 =	simm.s32 $0x0;
	[sflag:s31] =	ssyncpa.u1 $0x0;
	p0 =	por $0x0, $0x0  }
0xd: {  	s6 =	sadd.s32 $0xA00, s8;
	s7 =	sadd.s32 $0x10A00, s8;
	s8 =	sor.u32 $0x1, s5  }
.LBB1_7:
0xe: {  	s15 =	sadd.s32 $0x2, s11  }
0xf: {  	p2 =	sgt.s32 s15, $0xC7  }
0x10: {  	s15 =	simm.s32 @p2 $0x0;
	p2 =	sne.s32 s12, s8  }
.Ltmp1:
0x11: {  	p1 =	slt.u32 s12, $0x2;
	(pc) =	sbr.rel @!p2 .LBB1_8-.Ltmp1, $4  }
0x12: {  	s13 =	simm.s32 @!p1 $0x2  }
0x13: {  	s16 =	sadd.s32 $0x1, s12;
	s14 =	smov.u32 s11;
	_ =	swait.ge @!p1 [sflag:s13], $0x4000  }
0x14: {  	p0 =	por !p0, !p0;
	s12 =	smov.u32 s16;
	[sflag:s13] =	ssyncset.done @!p1 $0x0  }
0x15: {  	s11 =	smov.u32 s15;
	[sflag:s13] =	ssyncadd.s32 @!p1 $0xFFFFC000;
	s13 =	smov.u32 s2  }
.LBB1_1:
0x16: {  	p1 =	sge.u32 s12, s5  }
0x17: {  	s15 =	sxor.u32 @!p1 $0xFFFFFFFF, s12  }
0x18: {  	s16 =	sshll.u32 @!p1 s11, $0x10;
	s18 =	simm.s32 @!p1 $0x40;
	s15 =	sshll.u32 @!p1 s15, $0xE  }
0x19: {  	s19 =	simm.s32 @!p1 $0x80;
	s17 =	sadd.s32 @!p1 s16, s6;
	s15 =	sand.u32 @!p1 $0x4000, s15  }
0x1a: {  	[tilespmem:s15], [sflag:$0x1] =	stream.strided.gather @!p1 [hbm4b:s17+s18], $0x2000, s19, s18, $0x38;
	[tilespmem:$0x10100] =	vst v63  }
0x1b: {  	s31 =	sadd.s32 $0xFFFFFFFF, s12;
	s16 =	sadd.s32 @!p1 s16, s7;
	s15 =	sor.u32 @!p1 $0x2000, s15  }
0x1c: {  	[tilespmem:s15], [sflag:$0x1] =	stream.strided.gather @!p1 [hbm4b:s16+s18], $0x2000, s19, s18, $0x38;
	[tilespmem:$0x10100] =	vst v63  }
0x1d: {  	p1 =	sge.u32 s31, s5  }
.Ltmp2:
0x1e: {  	_ = 	snop;
	(pc) =	sbr.rel @p1 .LBB1_7-.Ltmp2, $1  }
0x1f: {  	_ =	sdelay $0x3  }
0x20: {  	s15 =	simm.s32 $0x1;
	s17 =	sand.u32 $0x1, s12  }
0x21: {  	_ =	swait.ge [sflag:s4], $0x4000;
	s15 =	simm.s32 @!p0 $0x0;
	s17 =	smul.u32 $0x10200, s17  }
0x22: {  	p2 =	por $0x1, $0x1;
	[sflag:s4] =	ssyncset.done $0x0;
	s16 =	smul.u32 $0x10200, s15  }
0x23: {  	s18 =	sshll.u32 s15, $0x10;
	[sflag:s4] =	ssyncadd.s32 $0xFFFFC000;
	s30 =	sshrl.u32 s17, $0x2  }
0x24: {  	s31 =	sshrl.u32 s18, $0x2;
	s18 =	simm.s32 $0x0;
	s16 =	sshrl.u32 s16, $0x2  }
0x25: {  	s15 =	sor.u32 $0x8000, s30;
	s17 =	sadd.s32 $0x20, s31;
	s16 =	sor.u32 $0x8000, s16  }
.LBB1_3:
0x26: {  	s19 =	sshll.u32 s18, $0xD  }
0x27: {  	s19 =	sand.u32 $0x3FFFE000, s19  }
0x28: {  	s21 =	sadd.s32 s19, s17  }
0x29: {  	s31 =	smul.u32 $0x8100, s18;
	v3 =	vld [tilespmem:s21+$0x10]  }
0x2a: {  	v1 =	vld [tilespmem:s21+$0xFFFFFFF0]  }
0x2b: {  	s18 =	sshra.s32 s31, $0x2;
	v0 =	vld [tilespmem:s21+$0x0]  }
0x2c: {  	s18 =	sadd.s32 s18, s16;
	v2 =	vld [tilespmem:s21+$0xFFFFFFE0]  }
0x2d: {  	s19 =	sadd.s32 $0x0, s18  }
0x2e: {  	p1 =	por p2, p2;
	s20 =	simm.s32 $0x4;
	s21 =	sadd.s32 $0x40, s21;
	[tilespmem:s19+$0x1830 ss:$0x81] =	vst.msk $0xffff, v3  }
.LBB1_4:
0x2f: {  	v3 =	vld [tilespmem:s21+$0x10];
	p2 =	sne.s32 s20, $0x1FC;
	[tilespmem:s19+$0x810 ss:$0x81] =	vst.msk $0xffff, v1;
	s22 =	smov.u32 s20;
	s20 =	sadd.s32 $0x4, s20  }
.Ltmp3:
0x30: {  	v1 =	vld [tilespmem:s21+$0xFFFFFFF0];
	[tilespmem:s19+$0x1020 ss:$0x81] =	vst.msk $0xffff, v0;
	(pc) =	sbr.rel @p2 .LBB1_4-.Ltmp3, $4  }
0x31: {  	v0 =	vld [tilespmem:s21+$0x0];
	[tilespmem:s19+$0x0 ss:$0x81] =	vst.msk $0xffff, v2  }
0x32: {  	s19 =	sshra.s32 s22, $0x2;
	v2 =	vld [tilespmem:s21+$0xFFFFFFE0]  }
0x33: {  	s19 =	sadd.s32 s19, s18  }
0x34: {  	s21 =	sadd.s32 $0x40, s21;
	[tilespmem:s19+$0x1830 ss:$0x81] =	vst.msk $0xffff, v3  }
.Ltmp4:
0x35: {  	(pc) =	sbr.rel @p1 .LBB1_3-.Ltmp4, $4  }
0x36: {  	_ = 	snop  }
0x37: {  	[tilespmem:s19+$0x810 ss:$0x81] =	vst.msk $0xffff, v1  }
0x38: {  	[tilespmem:s19+$0x1020 ss:$0x81] =	vst.msk $0xffff, v0  }
0x39: {  	s18 =	simm.s32 $0x1;
	p2 =	por $0x0, $0x0;
	[tilespmem:s19+$0x0 ss:$0x81] =	vst.msk $0xffff, v2  }
.Ltmp5:
0x3a: {  	(pc) =	sbr.rel .LBB1_7-.Ltmp5, $4  }
0x3b: {  	s14 =	sshll.u32 s14, $0xF  }
0x3c: {  	s14 =	sadd.s32 s3, s14  }
0x3d: {  	s13 =	sadd.s32 s13, s14  }
0x3e: {  	[hbm4b:s13+s9] =	stream.strided.scatter [tilespmem:s15], [sflag:$0x2], $0x4000, s10, s9, $0x20;
	[tilespmem:$0x10100] =	vst v63  }
.LBB1_8:
0x3f: {  	_ =	sfence.sel $0x180000  }
0x40: {  	s2 =	simm.s32 $0x1;
	[bflag:$0x0] =	sbarrier.arrive $0xFFFF  }
0x41: {  	s31 =	simm.s32 $0x2;
	[sflag:s2] =	ssyncpa.u1 $0x1  }
0x42: {  	[sflag:s31] =	ssyncpa.u1 $0x1  }
0x43: {  	p0 =	sne.s32 s0, $0x0;
	_ =	strace $0x9000004A  }
0x44: {  	s0 =	sadd.s32 @!p0 $0x100000, s1;
	[bflag:$0x2] =	sbarrier.arrive $0xFFFF  }
0x45: {  	[sflag:s0] =	ssyncadd.tile.s32 @!p0 $0x1;
	_ =	shalt  }
.Lfunc_end1:
_tile_overlayer_lowered:
.L_overlay_start_2:
0x46: {  	(tag) =	ssettag $0x2  }
0x47: {  	s0 =	rddreg [dreg:$0x0];
	s2 =	stileid.u32  }
0x48: {  	s1 =	rddreg [dreg:$0x1];
	p0 =	sne.s32 s2, $0x0  }
0x49: {  	s3 =	rddreg [dreg:$0x2];
	[bflag:$0x3] =	sbarrier.arrive $0xFFFF;
	s2 =	simm.s32 @!p0 $0x1C01  }
0x4a: {  	[timem:s3], [sflag:s2] =	dma.local @!p0 [hbm:s0], s1  }
0x4b: {  	s0 =	simm.s32 @!p0 $0x1  }
0x4c: {  	_ =	swait.ge @!p0 [sflag:s0], s1  }
0x4d: {  	s1 =	ssub.s32 @!p0 $0x0, s1;
	[sflag:s0] =	ssyncset.done @!p0 $0x0  }
0x4e: {  	[sflag:s0] =	ssyncadd.s32 @!p0 s1  }
0x4f: {  	[bflag:$0x3] =	sbarrier.arrive $0xFFFF  }
0x50: {  	_ =	shalt  }

</sc_bundles>
